<compile_context>
chip_gen: v7x
topology: tpu7x:2x2x1
jax: 0.10.2.dev20260603
libtpu: 0.0.44.dev20260713+nightly
codegen_flags: <defaults>
</compile_context>

<pallas_src>
import functools

import jax
import jax.numpy as jnp
from jax import lax
from jax.experimental import pallas as pl
from jax.experimental.pallas import tpu as pltpu
from jax.experimental.pallas import tpu_sc as plsc

_NC = 2
_NS = 16
_NW = _NC * _NS

_K = 128
_NBUF = 7
_A = 4


def _gather_kernel(idx_hbm, table_hbm, out_hbm, idx_v, rows_v, gsem, osem,
                   *, chunks_per_worker):
    n = chunks_per_worker
    wid = lax.axis_index("s") * _NC + lax.axis_index("c")
    chunk0 = wid * n

    pltpu.sync_copy(idx_hbm.at[wid], idx_v)

    def start_gather(j, s):
        pltpu.async_copy(table_hbm.at[idx_v.at[j]], rows_v.at[s], gsem[s])

    def wait_gather(j, s):
        pltpu.make_async_copy(
            table_hbm.at[idx_v.at[j]], rows_v.at[s], gsem[s]
        ).wait()

    def out_ref(j):
        return out_hbm.at[pl.ds((chunk0 + j) * _K, _K)]

    def start_out(j, s):
        pltpu.async_copy(rows_v.at[s], out_ref(j), osem[s])

    def wait_out(j, s):
        pltpu.make_async_copy(rows_v.at[s], out_ref(j), osem[s]).wait()

    for j in range(_A):
        start_gather(j, j)

    head = _NBUF - _A + ((n - _A) - (_NBUF - _A)) % _NBUF
    assert head >= _NBUF - _A and (n - _A - head) % _NBUF == 0

    for j in range(head):
        s_issue = (j + _A) % _NBUF
        if j + _A - _NBUF >= 0:
            wait_out(j + _A - _NBUF, s_issue)
        start_gather(j + _A, s_issue)
        wait_gather(j, j % _NBUF)
        start_out(j, j % _NBUF)

    r = head % _NBUF

    @pl.loop(head, n - _A, step=_NBUF)
    def _(c):
        for b in range(_NBUF):
            j = c + b
            s = (r + b) % _NBUF
            s_issue = (r + b + _A) % _NBUF
            wait_out(j + _A - _NBUF, s_issue)
            start_gather(j + _A, s_issue)
            wait_gather(j, s)
            start_out(j, s)

    for j in range(n - _A, n):
        s = j % _NBUF
        wait_gather(j, s)
        start_out(j, s)
    for j in range(n - _NBUF, n):
        wait_out(j, j % _NBUF)


def kernel(token_ids, weight):
    b, t = token_ids.shape
    d = weight.shape[1]
    flat_n = b * t
    assert flat_n % (_NW * _K) == 0
    chunks_per_worker = flat_n // (_NW * _K)

    idx3d = token_ids.reshape(_NW, chunks_per_worker, _K).astype(jnp.int32)

    grid_kernel = functools.partial(_gather_kernel,
                                    chunks_per_worker=chunks_per_worker)
    mesh = plsc.VectorSubcoreMesh(core_axis_name="c", subcore_axis_name="s")
    out = pl.kernel(
        grid_kernel,
        out_type=jax.ShapeDtypeStruct((flat_n, d), jnp.float32),
        mesh=mesh,
        scratch_types=[
            pltpu.VMEM((chunks_per_worker, _K), jnp.int32),
            pltpu.VMEM((_NBUF, _K, d), jnp.float32),
            [pltpu.SemaphoreType.DMA] * _NBUF,
            [pltpu.SemaphoreType.DMA] * _NBUF,
        ],
    )(idx3d, weight)
    return out.reshape(b, t, d)

# --- scband reference (transcript-rebuilt; emitter-appended) ---
"""Pipeline reference for scband-mo-veinference-embedding-33973191311573 (READ-ONLY COPY).

The authoritative reference and input builder live on the scoring server;
editing this copy changes nothing except your own understanding.
"""

import jax, jax.numpy as jnp
import numpy as np

NUM_EMBEDDINGS = 100000
EMBEDDING_DIM = 128
B, T = 1024, 200


def setup_inputs(seed: int = 0) -> dict:
    key = jax.random.key(seed)
    k1, k2 = jax.random.split(key)
    token_ids = jax.random.randint(k1, (B, T), 0, NUM_EMBEDDINGS)
    weight = jax.random.normal(k2, (NUM_EMBEDDINGS, EMBEDDING_DIM), dtype=jnp.float32)
    return {"token_ids": token_ids, "weight": weight}


def reference(token_ids, weight):
    # Faithful translation of MoVEInferenceEmbedding.forward_batch:
    # dedup tokens via unique(return_inverse), gather unique rows from the
    # (offloaded) weight table, then expand back to the full (B, T) layout.
    b, t = token_ids.shape
    flat = token_ids.reshape(-1)
    unique_ids, inverse = jnp.unique(
        flat, return_inverse=True, size=flat.shape[0], fill_value=0
    )
    unique_embeds = jnp.take(weight, unique_ids, axis=0)
    full_embeds = jnp.take(unique_embeds, inverse.reshape(-1), axis=0)
    return full_embeds.reshape(b, t, weight.shape[1])

if __name__ == "__main__":
    import jax
    _d = setup_inputs()
    print(jax.jit(kernel)(*tuple(_d.values())))

</pallas_src>

<mosaic_0001>
#map = affine_map<(d0, d1) -> (0, 0, 0)>
#map1 = affine_map<(d0, d1) -> (0, 0)>
module attributes {stable_mosaic.version = 14 : i64} {
  func.func @_gather_kernel(%arg0: i32, %arg1: i32, %arg2: memref<32x50x128xi32, #tpu.memory_space<hbm>>, %arg3: memref<100000x128xf32, #tpu.memory_space<hbm>>, %arg4: memref<204800x128xf32, #tpu.memory_space<hbm>>, %arg5: memref<50x128xi32, #tpu.memory_space<vmem>>, %arg6: memref<7x128x128xf32, #tpu.memory_space<vmem>>, %arg7: memref<!tpu.dma_semaphore, #tpu.memory_space<semaphore_mem>>, %arg8: memref<!tpu.dma_semaphore, #tpu.memory_space<semaphore_mem>>, %arg9: memref<!tpu.dma_semaphore, #tpu.memory_space<semaphore_mem>>, %arg10: memref<!tpu.dma_semaphore, #tpu.memory_space<semaphore_mem>>, %arg11: memref<!tpu.dma_semaphore, #tpu.memory_space<semaphore_mem>>, %arg12: memref<!tpu.dma_semaphore, #tpu.memory_space<semaphore_mem>>, %arg13: memref<!tpu.dma_semaphore, #tpu.memory_space<semaphore_mem>>, %arg14: memref<!tpu.dma_semaphore, #tpu.memory_space<semaphore_mem>>, %arg15: memref<!tpu.dma_semaphore, #tpu.memory_space<semaphore_mem>>, %arg16: memref<!tpu.dma_semaphore, #tpu.memory_space<semaphore_mem>>, %arg17: memref<!tpu.dma_semaphore, #tpu.memory_space<semaphore_mem>>, %arg18: memref<!tpu.dma_semaphore, #tpu.memory_space<semaphore_mem>>, %arg19: memref<!tpu.dma_semaphore, #tpu.memory_space<semaphore_mem>>, %arg20: memref<!tpu.dma_semaphore, #tpu.memory_space<semaphore_mem>>) attributes {dimension_semantics = [#tpu.dimension_semantics<core_parallel>, #tpu.dimension_semantics<subcore_parallel>], iteration_bounds = array<i64: 2, 16>, scalar_prefetch = 0 : i64, scratch_operands = 16 : i64, tpu.core_type = #tpu.core_type<sc_vector_subcore>, window_params = [{transform_indices = #map}, {transform_indices = #map1}, {transform_indices = #map1}]} {
    %mul3A = arith.constant 2 : i32
    %mul3A_0 = arith.muli %arg1, %mul3A : i32
    %add3A = arith.addi %mul3A_0, %arg0 : i32
    %mul3A_1 = arith.constant 50 : i32
    %mul3A_2 = arith.muli %add3A, %mul3A_1 : i32
    "tpu.region"() ({
      %run_scoped3A = tpu.sem_alloc : memref<!tpu.dma_semaphore, #tpu.memory_space<semaphore_mem>>
      %dma_start3A_469 = arith.constant 0 : i32
      %dma_start3A_470 = arith.constant 0 : i32
      %dma_start3A_471 = tpu.memref_slice %arg2[%add3A, %dma_start3A_469, %dma_start3A_470] : memref<32x50x128xi32, #tpu.memory_space<hbm>> -> memref<1x50x128xi32, #tpu.memory_space<hbm>>
      %dma_start3A_472 = tpu.memref_squeeze %dma_start3A_471 : memref<1x50x128xi32, #tpu.memory_space<hbm>> -> memref<50x128xi32, #tpu.memory_space<hbm>>
      %dma_start3A_473 = arith.constant 0 : i32
      %dma_start3A_474 = arith.constant 0 : i32
      %dma_start3A_475 = tpu.memref_slice %arg2[%add3A, %dma_start3A_473, %dma_start3A_474] : memref<32x50x128xi32, #tpu.memory_space<hbm>> -> memref<1x50x128xi32, #tpu.memory_space<hbm>>
      %dma_start3A_476 = tpu.memref_squeeze %dma_start3A_475 : memref<1x50x128xi32, #tpu.memory_space<hbm>> -> memref<50x128xi32, #tpu.memory_space<hbm>>
      tpu.enqueue_dma source(%dma_start3A_476 : memref<50x128xi32, #tpu.memory_space<hbm>>) target(%arg5 : memref<50x128xi32, #tpu.memory_space<vmem>>) target_semaphore(%run_scoped3A : memref<!tpu.dma_semaphore, #tpu.memory_space<semaphore_mem>>)
      %dma_wait3A_477 = arith.constant 0 : i32
      %dma_wait3A_478 = arith.constant 0 : i32
      %dma_wait3A_479 = tpu.memref_slice %arg2[%add3A, %dma_wait3A_477, %dma_wait3A_478] : memref<32x50x128xi32, #tpu.memory_space<hbm>> -> memref<1x50x128xi32, #tpu.memory_space<hbm>>
      %dma_wait3A_480 = tpu.memref_squeeze %dma_wait3A_479 : memref<1x50x128xi32, #tpu.memory_space<hbm>> -> memref<50x128xi32, #tpu.memory_space<hbm>>
      %dma_wait3A_481 = arith.constant 0 : i32
      %dma_wait3A_482 = arith.constant 0 : i32
      %dma_wait3A_483 = tpu.memref_slice %arg2[%add3A, %dma_wait3A_481, %dma_wait3A_482] : memref<32x50x128xi32, #tpu.memory_space<hbm>> -> memref<1x50x128xi32, #tpu.memory_space<hbm>>
      %dma_wait3A_484 = tpu.memref_squeeze %dma_wait3A_483 : memref<1x50x128xi32, #tpu.memory_space<hbm>> -> memref<50x128xi32, #tpu.memory_space<hbm>>
      tpu.wait_dma2 semaphore(%run_scoped3A : memref<!tpu.dma_semaphore, #tpu.memory_space<semaphore_mem>>) src(%dma_wait3A_484 : memref<50x128xi32, #tpu.memory_space<hbm>>) dst(%arg5 : memref<50x128xi32, #tpu.memory_space<vmem>>)
      tpu.yield
    }) : () -> ()
    %dma_start3A = arith.constant 0 : i32
    %dma_start3A_3 = arith.constant 0 : i32
    %dma_start3A_4 = arith.constant 0 : i32
    %dma_start3A_5 = arith.constant 0 : i32
    %dma_start3A_6 = tpu.memref_slice %arg6[%dma_start3A_3, %dma_start3A_4, %dma_start3A_5] : memref<7x128x128xf32, #tpu.memory_space<vmem>> -> memref<1x128x128xf32, #tpu.memory_space<vmem>>
    %dma_start3A_7 = tpu.memref_squeeze %dma_start3A_6 : memref<1x128x128xf32, #tpu.memory_space<vmem>> -> memref<128x128xf32, #tpu.memory_space<vmem>>
    %dma_start3A_8 = arith.constant 0 : i32
    %dma_start3A_9 = tpu.memref_slice %arg5[%dma_start3A, %dma_start3A_8] : memref<50x128xi32, #tpu.memory_space<vmem>> -> memref<1x128xi32, #tpu.memory_space<vmem>>
    %dma_start3A_10 = tpu.memref_squeeze %dma_start3A_9 : memref<1x128xi32, #tpu.memory_space<vmem>> -> memref<128xi32, #tpu.memory_space<vmem>>
    %dma_start3A_11 = arith.constant 0 : i32
    %dma_start3A_12 = arith.constant 0 : i32
    %dma_start3A_13 = tpu.memref_slice %arg3[%dma_start3A_11, %dma_start3A_12] : memref<100000x128xf32, #tpu.memory_space<hbm>> -> memref<100000x128xf32, #tpu.memory_space<hbm>>
    tpu.enqueue_indirect_dma source(%dma_start3A_13 : memref<100000x128xf32, #tpu.memory_space<hbm>>) target(%dma_start3A_7 : memref<128x128xf32, #tpu.memory_space<vmem>>) offsets(%dma_start3A_10 : memref<128xi32, #tpu.memory_space<vmem>>) semaphore(%arg7 : memref<!tpu.dma_semaphore, #tpu.memory_space<semaphore_mem>>)
    %dma_start3A_14 = arith.constant 1 : i32
    %dma_start3A_15 = arith.constant 1 : i32
    %dma_start3A_16 = arith.constant 0 : i32
    %dma_start3A_17 = arith.constant 0 : i32
    %dma_start3A_18 = tpu.memref_slice %arg6[%dma_start3A_15, %dma_start3A_16, %dma_start3A_17] : memref<7x128x128xf32, #tpu.memory_space<vmem>> -> memref<1x128x128xf32, #tpu.memory_space<vmem>>
    %dma_start3A_19 = tpu.memref_squeeze %dma_start3A_18 : memref<1x128x128xf32, #tpu.memory_space<vmem>> -> memref<128x128xf32, #tpu.memory_space<vmem>>
    %dma_start3A_20 = arith.constant 0 : i32
    %dma_start3A_21 = tpu.memref_slice %arg5[%dma_start3A_14, %dma_start3A_20] : memref<50x128xi32, #tpu.memory_space<vmem>> -> memref<1x128xi32, #tpu.memory_space<vmem>>
    %dma_start3A_22 = tpu.memref_squeeze %dma_start3A_21 : memref<1x128xi32, #tpu.memory_space<vmem>> -> memref<128xi32, #tpu.memory_space<vmem>>
    %dma_start3A_23 = arith.constant 0 : i32
    %dma_start3A_24 = arith.constant 0 : i32
    %dma_start3A_25 = tpu.memref_slice %arg3[%dma_start3A_23, %dma_start3A_24] : memref<100000x128xf32, #tpu.memory_space<hbm>> -> memref<100000x128xf32, #tpu.memory_space<hbm>>
    tpu.enqueue_indirect_dma source(%dma_start3A_25 : memref<100000x128xf32, #tpu.memory_space<hbm>>) target(%dma_start3A_19 : memref<128x128xf32, #tpu.memory_space<vmem>>) offsets(%dma_start3A_22 : memref<128xi32, #tpu.memory_space<vmem>>) semaphore(%arg8 : memref<!tpu.dma_semaphore, #tpu.memory_space<semaphore_mem>>)
    %dma_start3A_26 = arith.constant 2 : i32
    %dma_start3A_27 = arith.constant 2 : i32
    %dma_start3A_28 = arith.constant 0 : i32
    %dma_start3A_29 = arith.constant 0 : i32
    %dma_start3A_30 = tpu.memref_slice %arg6[%dma_start3A_27, %dma_start3A_28, %dma_start3A_29] : memref<7x128x128xf32, #tpu.memory_space<vmem>> -> memref<1x128x128xf32, #tpu.memory_space<vmem>>
    %dma_start3A_31 = tpu.memref_squeeze %dma_start3A_30 : memref<1x128x128xf32, #tpu.memory_space<vmem>> -> memref<128x128xf32, #tpu.memory_space<vmem>>
    %dma_start3A_32 = arith.constant 0 : i32
    %dma_start3A_33 = tpu.memref_slice %arg5[%dma_start3A_26, %dma_start3A_32] : memref<50x128xi32, #tpu.memory_space<vmem>> -> memref<1x128xi32, #tpu.memory_space<vmem>>
    %dma_start3A_34 = tpu.memref_squeeze %dma_start3A_33 : memref<1x128xi32, #tpu.memory_space<vmem>> -> memref<128xi32, #tpu.memory_space<vmem>>
    %dma_start3A_35 = arith.constant 0 : i32
    %dma_start3A_36 = arith.constant 0 : i32
    %dma_start3A_37 = tpu.memref_slice %arg3[%dma_start3A_35, %dma_start3A_36] : memref<100000x128xf32, #tpu.memory_space<hbm>> -> memref<100000x128xf32, #tpu.memory_space<hbm>>
    tpu.enqueue_indirect_dma source(%dma_start3A_37 : memref<100000x128xf32, #tpu.memory_space<hbm>>) target(%dma_start3A_31 : memref<128x128xf32, #tpu.memory_space<vmem>>) offsets(%dma_start3A_34 : memref<128xi32, #tpu.memory_space<vmem>>) semaphore(%arg9 : memref<!tpu.dma_semaphore, #tpu.memory_space<semaphore_mem>>)
    %dma_start3A_38 = arith.constant 3 : i32
    %dma_start3A_39 = arith.constant 3 : i32
    %dma_start3A_40 = arith.constant 0 : i32
    %dma_start3A_41 = arith.constant 0 : i32
    %dma_start3A_42 = tpu.memref_slice %arg6[%dma_start3A_39, %dma_start3A_40, %dma_start3A_41] : memref<7x128x128xf32, #tpu.memory_space<vmem>> -> memref<1x128x128xf32, #tpu.memory_space<vmem>>
    %dma_start3A_43 = tpu.memref_squeeze %dma_start3A_42 : memref<1x128x128xf32, #tpu.memory_space<vmem>> -> memref<128x128xf32, #tpu.memory_space<vmem>>
    %dma_start3A_44 = arith.constant 0 : i32
    %dma_start3A_45 = tpu.memref_slice %arg5[%dma_start3A_38, %dma_start3A_44] : memref<50x128xi32, #tpu.memory_space<vmem>> -> memref<1x128xi32, #tpu.memory_space<vmem>>
    %dma_start3A_46 = tpu.memref_squeeze %dma_start3A_45 : memref<1x128xi32, #tpu.memory_space<vmem>> -> memref<128xi32, #tpu.memory_space<vmem>>
    %dma_start3A_47 = arith.constant 0 : i32
    %dma_start3A_48 = arith.constant 0 : i32
    %dma_start3A_49 = tpu.memref_slice %arg3[%dma_start3A_47, %dma_start3A_48] : memref<100000x128xf32, #tpu.memory_space<hbm>> -> memref<100000x128xf32, #tpu.memory_space<hbm>>
    tpu.enqueue_indirect_dma source(%dma_start3A_49 : memref<100000x128xf32, #tpu.memory_space<hbm>>) target(%dma_start3A_43 : memref<128x128xf32, #tpu.memory_space<vmem>>) offsets(%dma_start3A_46 : memref<128xi32, #tpu.memory_space<vmem>>) semaphore(%arg10 : memref<!tpu.dma_semaphore, #tpu.memory_space<semaphore_mem>>)
    %dma_start3A_50 = arith.constant 4 : i32
    %dma_start3A_51 = arith.constant 4 : i32
    %dma_start3A_52 = arith.constant 0 : i32
    %dma_start3A_53 = arith.constant 0 : i32
    %dma_start3A_54 = tpu.memref_slice %arg6[%dma_start3A_51, %dma_start3A_52, %dma_start3A_53] : memref<7x128x128xf32, #tpu.memory_space<vmem>> -> memref<1x128x128xf32, #tpu.memory_space<vmem>>
    %dma_start3A_55 = tpu.memref_squeeze %dma_start3A_54 : memref<1x128x128xf32, #tpu.memory_space<vmem>> -> memref<128x128xf32, #tpu.memory_space<vmem>>
    %dma_start3A_56 = arith.constant 0 : i32
    %dma_start3A_57 = tpu.memref_slice %arg5[%dma_start3A_50, %dma_start3A_56] : memref<50x128xi32, #tpu.memory_space<vmem>> -> memref<1x128xi32, #tpu.memory_space<vmem>>
    %dma_start3A_58 = tpu.memref_squeeze %dma_start3A_57 : memref<1x128xi32, #tpu.memory_space<vmem>> -> memref<128xi32, #tpu.memory_space<vmem>>
    %dma_start3A_59 = arith.constant 0 : i32
    %dma_start3A_60 = arith.constant 0 : i32
    %dma_start3A_61 = tpu.memref_slice %arg3[%dma_start3A_59, %dma_start3A_60] : memref<100000x128xf32, #tpu.memory_space<hbm>> -> memref<100000x128xf32, #tpu.memory_space<hbm>>
    tpu.enqueue_indirect_dma source(%dma_start3A_61 : memref<100000x128xf32, #tpu.memory_space<hbm>>) target(%dma_start3A_55 : memref<128x128xf32, #tpu.memory_space<vmem>>) offsets(%dma_start3A_58 : memref<128xi32, #tpu.memory_space<vmem>>) semaphore(%arg11 : memref<!tpu.dma_semaphore, #tpu.memory_space<semaphore_mem>>)
    %dma_wait3A = arith.constant 0 : i32
    %dma_wait3A_62 = arith.constant 0 : i32
    %dma_wait3A_63 = arith.constant 0 : i32
    %dma_wait3A_64 = arith.constant 0 : i32
    %dma_wait3A_65 = tpu.memref_slice %arg6[%dma_wait3A_62, %dma_wait3A_63, %dma_wait3A_64] : memref<7x128x128xf32, #tpu.memory_space<vmem>> -> memref<1x128x128xf32, #tpu.memory_space<vmem>>
    %dma_wait3A_66 = tpu.memref_squeeze %dma_wait3A_65 : memref<1x128x128xf32, #tpu.memory_space<vmem>> -> memref<128x128xf32, #tpu.memory_space<vmem>>
    %dma_wait3A_67 = arith.constant 0 : i32
    %dma_wait3A_68 = tpu.memref_slice %arg5[%dma_wait3A, %dma_wait3A_67] : memref<50x128xi32, #tpu.memory_space<vmem>> -> memref<1x128xi32, #tpu.memory_space<vmem>>
    %dma_wait3A_69 = tpu.memref_squeeze %dma_wait3A_68 : memref<1x128xi32, #tpu.memory_space<vmem>> -> memref<128xi32, #tpu.memory_space<vmem>>
    %dma_wait3A_70 = arith.constant 0 : i32
    %dma_wait3A_71 = arith.constant 0 : i32
    %dma_wait3A_72 = tpu.memref_slice %arg3[%dma_wait3A_70, %dma_wait3A_71] : memref<100000x128xf32, #tpu.memory_space<hbm>> -> memref<100000x128xf32, #tpu.memory_space<hbm>>
    tpu.wait_indirect_dma semaphore(%arg7 : memref<!tpu.dma_semaphore, #tpu.memory_space<semaphore_mem>>) src(%dma_wait3A_72 : memref<100000x128xf32, #tpu.memory_space<hbm>>) dst(%dma_wait3A_66 : memref<128x128xf32, #tpu.memory_space<vmem>>)
    %add3A_73 = arith.constant 0 : i32
    %add3A_74 = arith.addi %mul3A_2, %add3A_73 : i32
    %mul3A_75 = arith.constant 128 : i32
    %mul3A_76 = arith.muli %add3A_74, %mul3A_75 : i32
    %dma_start3A_77 = arith.constant 0 : i32
    %dma_start3A_78 = arith.constant 0 : i32
    %dma_start3A_79 = arith.constant 0 : i32
    %dma_start3A_80 = tpu.memref_slice %arg6[%dma_start3A_77, %dma_start3A_78, %dma_start3A_79] : memref<7x128x128xf32, #tpu.memory_space<vmem>> -> memref<1x128x128xf32, #tpu.memory_space<vmem>>
    %dma_start3A_81 = tpu.memref_squeeze %dma_start3A_80 : memref<1x128x128xf32, #tpu.memory_space<vmem>> -> memref<128x128xf32, #tpu.memory_space<vmem>>
    %dma_start3A_82 = arith.constant 0 : i32
    %dma_start3A_83 = tpu.memref_slice %arg4[%mul3A_76, %dma_start3A_82] : memref<204800x128xf32, #tpu.memory_space<hbm>> -> memref<128x128xf32, #tpu.memory_space<hbm>>
    %dma_start3A_84 = arith.constant 0 : i32
    %dma_start3A_85 = tpu.memref_slice %arg4[%mul3A_76, %dma_start3A_84] : memref<204800x128xf32, #tpu.memory_space<hbm>> -> memref<128x128xf32, #tpu.memory_space<hbm>>
    %dma_start3A_86 = arith.constant 0 : i32
    %dma_start3A_87 = arith.constant 0 : i32
    %dma_start3A_88 = tpu.memref_slice %arg6[%dma_start3A_77, %dma_start3A_86, %dma_start3A_87] : memref<7x128x128xf32, #tpu.memory_space<vmem>> -> memref<1x128x128xf32, #tpu.memory_space<vmem>>
    %dma_start3A_89 = tpu.memref_squeeze %dma_start3A_88 : memref<1x128x128xf32, #tpu.memory_space<vmem>> -> memref<128x128xf32, #tpu.memory_space<vmem>>
    tpu.enqueue_dma source(%dma_start3A_89 : memref<128x128xf32, #tpu.memory_space<vmem>>) target(%dma_start3A_85 : memref<128x128xf32, #tpu.memory_space<hbm>>) target_semaphore(%arg14 : memref<!tpu.dma_semaphore, #tpu.memory_space<semaphore_mem>>)
    %dma_start3A_90 = arith.constant 5 : i32
    %dma_start3A_91 = arith.constant 5 : i32
    %dma_start3A_92 = arith.constant 0 : i32
    %dma_start3A_93 = arith.constant 0 : i32
    %dma_start3A_94 = tpu.memref_slice %arg6[%dma_start3A_91, %dma_start3A_92, %dma_start3A_93] : memref<7x128x128xf32, #tpu.memory_space<vmem>> -> memref<1x128x128xf32, #tpu.memory_space<vmem>>
    %dma_start3A_95 = tpu.memref_squeeze %dma_start3A_94 : memref<1x128x128xf32, #tpu.memory_space<vmem>> -> memref<128x128xf32, #tpu.memory_space<vmem>>
    %dma_start3A_96 = arith.constant 0 : i32
    %dma_start3A_97 = tpu.memref_slice %arg5[%dma_start3A_90, %dma_start3A_96] : memref<50x128xi32, #tpu.memory_space<vmem>> -> memref<1x128xi32, #tpu.memory_space<vmem>>
    %dma_start3A_98 = tpu.memref_squeeze %dma_start3A_97 : memref<1x128xi32, #tpu.memory_space<vmem>> -> memref<128xi32, #tpu.memory_space<vmem>>
    %dma_start3A_99 = arith.constant 0 : i32
    %dma_start3A_100 = arith.constant 0 : i32
    %dma_start3A_101 = tpu.memref_slice %arg3[%dma_start3A_99, %dma_start3A_100] : memref<100000x128xf32, #tpu.memory_space<hbm>> -> memref<100000x128xf32, #tpu.memory_space<hbm>>
    tpu.enqueue_indirect_dma source(%dma_start3A_101 : memref<100000x128xf32, #tpu.memory_space<hbm>>) target(%dma_start3A_95 : memref<128x128xf32, #tpu.memory_space<vmem>>) offsets(%dma_start3A_98 : memref<128xi32, #tpu.memory_space<vmem>>) semaphore(%arg12 : memref<!tpu.dma_semaphore, #tpu.memory_space<semaphore_mem>>)
    %dma_wait3A_102 = arith.constant 1 : i32
    %dma_wait3A_103 = arith.constant 1 : i32
    %dma_wait3A_104 = arith.constant 0 : i32
    %dma_wait3A_105 = arith.constant 0 : i32
    %dma_wait3A_106 = tpu.memref_slice %arg6[%dma_wait3A_103, %dma_wait3A_104, %dma_wait3A_105] : memref<7x128x128xf32, #tpu.memory_space<vmem>> -> memref<1x128x128xf32, #tpu.memory_space<vmem>>
    %dma_wait3A_107 = tpu.memref_squeeze %dma_wait3A_106 : memref<1x128x128xf32, #tpu.memory_space<vmem>> -> memref<128x128xf32, #tpu.memory_space<vmem>>
    %dma_wait3A_108 = arith.constant 0 : i32
    %dma_wait3A_109 = tpu.memref_slice %arg5[%dma_wait3A_102, %dma_wait3A_108] : memref<50x128xi32, #tpu.memory_space<vmem>> -> memref<1x128xi32, #tpu.memory_space<vmem>>
    %dma_wait3A_110 = tpu.memref_squeeze %dma_wait3A_109 : memref<1x128xi32, #tpu.memory_space<vmem>> -> memref<128xi32, #tpu.memory_space<vmem>>
    %dma_wait3A_111 = arith.constant 0 : i32
    %dma_wait3A_112 = arith.constant 0 : i32
    %dma_wait3A_113 = tpu.memref_slice %arg3[%dma_wait3A_111, %dma_wait3A_112] : memref<100000x128xf32, #tpu.memory_space<hbm>> -> memref<100000x128xf32, #tpu.memory_space<hbm>>
    tpu.wait_indirect_dma semaphore(%arg8 : memref<!tpu.dma_semaphore, #tpu.memory_space<semaphore_mem>>) src(%dma_wait3A_113 : memref<100000x128xf32, #tpu.memory_space<hbm>>) dst(%dma_wait3A_107 : memref<128x128xf32, #tpu.memory_space<vmem>>)
    %add3A_114 = arith.constant 1 : i32
    %add3A_115 = arith.addi %mul3A_2, %add3A_114 : i32
    %mul3A_116 = arith.constant 128 : i32
    %mul3A_117 = arith.muli %add3A_115, %mul3A_116 : i32
    %dma_start3A_118 = arith.constant 1 : i32
    %dma_start3A_119 = arith.constant 0 : i32
    %dma_start3A_120 = arith.constant 0 : i32
    %dma_start3A_121 = tpu.memref_slice %arg6[%dma_start3A_118, %dma_start3A_119, %dma_start3A_120] : memref<7x128x128xf32, #tpu.memory_space<vmem>> -> memref<1x128x128xf32, #tpu.memory_space<vmem>>
    %dma_start3A_122 = tpu.memref_squeeze %dma_start3A_121 : memref<1x128x128xf32, #tpu.memory_space<vmem>> -> memref<128x128xf32, #tpu.memory_space<vmem>>
    %dma_start3A_123 = arith.constant 0 : i32
    %dma_start3A_124 = tpu.memref_slice %arg4[%mul3A_117, %dma_start3A_123] : memref<204800x128xf32, #tpu.memory_space<hbm>> -> memref<128x128xf32, #tpu.memory_space<hbm>>
    %dma_start3A_125 = arith.constant 0 : i32
    %dma_start3A_126 = tpu.memref_slice %arg4[%mul3A_117, %dma_start3A_125] : memref<204800x128xf32, #tpu.memory_space<hbm>> -> memref<128x128xf32, #tpu.memory_space<hbm>>
    %dma_start3A_127 = arith.constant 0 : i32
    %dma_start3A_128 = arith.constant 0 : i32
    %dma_start3A_129 = tpu.memref_slice %arg6[%dma_start3A_118, %dma_start3A_127, %dma_start3A_128] : memref<7x128x128xf32, #tpu.memory_space<vmem>> -> memref<1x128x128xf32, #tpu.memory_space<vmem>>
    %dma_start3A_130 = tpu.memref_squeeze %dma_start3A_129 : memref<1x128x128xf32, #tpu.memory_space<vmem>> -> memref<128x128xf32, #tpu.memory_space<vmem>>
    tpu.enqueue_dma source(%dma_start3A_130 : memref<128x128xf32, #tpu.memory_space<vmem>>) target(%dma_start3A_126 : memref<128x128xf32, #tpu.memory_space<hbm>>) target_semaphore(%arg15 : memref<!tpu.dma_semaphore, #tpu.memory_space<semaphore_mem>>)
    %dma_start3A_131 = arith.constant 6 : i32
    %dma_start3A_132 = arith.constant 6 : i32
    %dma_start3A_133 = arith.constant 0 : i32
    %dma_start3A_134 = arith.constant 0 : i32
    %dma_start3A_135 = tpu.memref_slice %arg6[%dma_start3A_132, %dma_start3A_133, %dma_start3A_134] : memref<7x128x128xf32, #tpu.memory_space<vmem>> -> memref<1x128x128xf32, #tpu.memory_space<vmem>>
    %dma_start3A_136 = tpu.memref_squeeze %dma_start3A_135 : memref<1x128x128xf32, #tpu.memory_space<vmem>> -> memref<128x128xf32, #tpu.memory_space<vmem>>
    %dma_start3A_137 = arith.constant 0 : i32
    %dma_start3A_138 = tpu.memref_slice %arg5[%dma_start3A_131, %dma_start3A_137] : memref<50x128xi32, #tpu.memory_space<vmem>> -> memref<1x128xi32, #tpu.memory_space<vmem>>
    %dma_start3A_139 = tpu.memref_squeeze %dma_start3A_138 : memref<1x128xi32, #tpu.memory_space<vmem>> -> memref<128xi32, #tpu.memory_space<vmem>>
    %dma_start3A_140 = arith.constant 0 : i32
    %dma_start3A_141 = arith.constant 0 : i32
    %dma_start3A_142 = tpu.memref_slice %arg3[%dma_start3A_140, %dma_start3A_141] : memref<100000x128xf32, #tpu.memory_space<hbm>> -> memref<100000x128xf32, #tpu.memory_space<hbm>>
    tpu.enqueue_indirect_dma source(%dma_start3A_142 : memref<100000x128xf32, #tpu.memory_space<hbm>>) target(%dma_start3A_136 : memref<128x128xf32, #tpu.memory_space<vmem>>) offsets(%dma_start3A_139 : memref<128xi32, #tpu.memory_space<vmem>>) semaphore(%arg13 : memref<!tpu.dma_semaphore, #tpu.memory_space<semaphore_mem>>)
    %dma_wait3A_143 = arith.constant 2 : i32
    %dma_wait3A_144 = arith.constant 2 : i32
    %dma_wait3A_145 = arith.constant 0 : i32
    %dma_wait3A_146 = arith.constant 0 : i32
    %dma_wait3A_147 = tpu.memref_slice %arg6[%dma_wait3A_144, %dma_wait3A_145, %dma_wait3A_146] : memref<7x128x128xf32, #tpu.memory_space<vmem>> -> memref<1x128x128xf32, #tpu.memory_space<vmem>>
    %dma_wait3A_148 = tpu.memref_squeeze %dma_wait3A_147 : memref<1x128x128xf32, #tpu.memory_space<vmem>> -> memref<128x128xf32, #tpu.memory_space<vmem>>
    %dma_wait3A_149 = arith.constant 0 : i32
    %dma_wait3A_150 = tpu.memref_slice %arg5[%dma_wait3A_143, %dma_wait3A_149] : memref<50x128xi32, #tpu.memory_space<vmem>> -> memref<1x128xi32, #tpu.memory_space<vmem>>
    %dma_wait3A_151 = tpu.memref_squeeze %dma_wait3A_150 : memref<1x128xi32, #tpu.memory_space<vmem>> -> memref<128xi32, #tpu.memory_space<vmem>>
    %dma_wait3A_152 = arith.constant 0 : i32
    %dma_wait3A_153 = arith.constant 0 : i32
    %dma_wait3A_154 = tpu.memref_slice %arg3[%dma_wait3A_152, %dma_wait3A_153] : memref<100000x128xf32, #tpu.memory_space<hbm>> -> memref<100000x128xf32, #tpu.memory_space<hbm>>
    tpu.wait_indirect_dma semaphore(%arg9 : memref<!tpu.dma_semaphore, #tpu.memory_space<semaphore_mem>>) src(%dma_wait3A_154 : memref<100000x128xf32, #tpu.memory_space<hbm>>) dst(%dma_wait3A_148 : memref<128x128xf32, #tpu.memory_space<vmem>>)
    %add3A_155 = arith.constant 2 : i32
    %add3A_156 = arith.addi %mul3A_2, %add3A_155 : i32
    %mul3A_157 = arith.constant 128 : i32
    %mul3A_158 = arith.muli %add3A_156, %mul3A_157 : i32
    %dma_start3A_159 = arith.constant 2 : i32
    %dma_start3A_160 = arith.constant 0 : i32
    %dma_start3A_161 = arith.constant 0 : i32
    %dma_start3A_162 = tpu.memref_slice %arg6[%dma_start3A_159, %dma_start3A_160, %dma_start3A_161] : memref<7x128x128xf32, #tpu.memory_space<vmem>> -> memref<1x128x128xf32, #tpu.memory_space<vmem>>
    %dma_start3A_163 = tpu.memref_squeeze %dma_start3A_162 : memref<1x128x128xf32, #tpu.memory_space<vmem>> -> memref<128x128xf32, #tpu.memory_space<vmem>>
    %dma_start3A_164 = arith.constant 0 : i32
    %dma_start3A_165 = tpu.memref_slice %arg4[%mul3A_158, %dma_start3A_164] : memref<204800x128xf32, #tpu.memory_space<hbm>> -> memref<128x128xf32, #tpu.memory_space<hbm>>
    %dma_start3A_166 = arith.constant 0 : i32
    %dma_start3A_167 = tpu.memref_slice %arg4[%mul3A_158, %dma_start3A_166] : memref<204800x128xf32, #tpu.memory_space<hbm>> -> memref<128x128xf32, #tpu.memory_space<hbm>>
    %dma_start3A_168 = arith.constant 0 : i32
    %dma_start3A_169 = arith.constant 0 : i32
    %dma_start3A_170 = tpu.memref_slice %arg6[%dma_start3A_159, %dma_start3A_168, %dma_start3A_169] : memref<7x128x128xf32, #tpu.memory_space<vmem>> -> memref<1x128x128xf32, #tpu.memory_space<vmem>>
    %dma_start3A_171 = tpu.memref_squeeze %dma_start3A_170 : memref<1x128x128xf32, #tpu.memory_space<vmem>> -> memref<128x128xf32, #tpu.memory_space<vmem>>
    tpu.enqueue_dma source(%dma_start3A_171 : memref<128x128xf32, #tpu.memory_space<vmem>>) target(%dma_start3A_167 : memref<128x128xf32, #tpu.memory_space<hbm>>) target_semaphore(%arg16 : memref<!tpu.dma_semaphore, #tpu.memory_space<semaphore_mem>>)
    %add3A_172 = arith.constant 0 : i32
    %add3A_173 = arith.addi %mul3A_2, %add3A_172 : i32
    %mul3A_174 = arith.constant 128 : i32
    %mul3A_175 = arith.muli %add3A_173, %mul3A_174 : i32
    %dma_wait3A_176 = arith.constant 0 : i32
    %dma_wait3A_177 = arith.constant 0 : i32
    %dma_wait3A_178 = arith.constant 0 : i32
    %dma_wait3A_179 = tpu.memref_slice %arg6[%dma_wait3A_176, %dma_wait3A_177, %dma_wait3A_178] : memref<7x128x128xf32, #tpu.memory_space<vmem>> -> memref<1x128x128xf32, #tpu.memory_space<vmem>>
    %dma_wait3A_180 = tpu.memref_squeeze %dma_wait3A_179 : memref<1x128x128xf32, #tpu.memory_space<vmem>> -> memref<128x128xf32, #tpu.memory_space<vmem>>
    %dma_wait3A_181 = arith.constant 0 : i32
    %dma_wait3A_182 = tpu.memref_slice %arg4[%mul3A_175, %dma_wait3A_181] : memref<204800x128xf32, #tpu.memory_space<hbm>> -> memref<128x128xf32, #tpu.memory_space<hbm>>
    %dma_wait3A_183 = arith.constant 0 : i32
    %dma_wait3A_184 = tpu.memref_slice %arg4[%mul3A_175, %dma_wait3A_183] : memref<204800x128xf32, #tpu.memory_space<hbm>> -> memref<128x128xf32, #tpu.memory_space<hbm>>
    %dma_wait3A_185 = arith.constant 0 : i32
    %dma_wait3A_186 = arith.constant 0 : i32
    %dma_wait3A_187 = tpu.memref_slice %arg6[%dma_wait3A_176, %dma_wait3A_185, %dma_wait3A_186] : memref<7x128x128xf32, #tpu.memory_space<vmem>> -> memref<1x128x128xf32, #tpu.memory_space<vmem>>
    %dma_wait3A_188 = tpu.memref_squeeze %dma_wait3A_187 : memref<1x128x128xf32, #tpu.memory_space<vmem>> -> memref<128x128xf32, #tpu.memory_space<vmem>>
    tpu.wait_dma2 semaphore(%arg14 : memref<!tpu.dma_semaphore, #tpu.memory_space<semaphore_mem>>) src(%dma_wait3A_188 : memref<128x128xf32, #tpu.memory_space<vmem>>) dst(%dma_wait3A_184 : memref<128x128xf32, #tpu.memory_space<hbm>>)
    %dma_start3A_189 = arith.constant 7 : i32
    %dma_start3A_190 = arith.constant 0 : i32
    %dma_start3A_191 = arith.constant 0 : i32
    %dma_start3A_192 = arith.constant 0 : i32
    %dma_start3A_193 = tpu.memref_slice %arg6[%dma_start3A_190, %dma_start3A_191, %dma_start3A_192] : memref<7x128x128xf32, #tpu.memory_space<vmem>> -> memref<1x128x128xf32, #tpu.memory_space<vmem>>
    %dma_start3A_194 = tpu.memref_squeeze %dma_start3A_193 : memref<1x128x128xf32, #tpu.memory_space<vmem>> -> memref<128x128xf32, #tpu.memory_space<vmem>>
    %dma_start3A_195 = arith.constant 0 : i32
    %dma_start3A_196 = tpu.memref_slice %arg5[%dma_start3A_189, %dma_start3A_195] : memref<50x128xi32, #tpu.memory_space<vmem>> -> memref<1x128xi32, #tpu.memory_space<vmem>>
    %dma_start3A_197 = tpu.memref_squeeze %dma_start3A_196 : memref<1x128xi32, #tpu.memory_space<vmem>> -> memref<128xi32, #tpu.memory_space<vmem>>
    %dma_start3A_198 = arith.constant 0 : i32
    %dma_start3A_199 = arith.constant 0 : i32
    %dma_start3A_200 = tpu.memref_slice %arg3[%dma_start3A_198, %dma_start3A_199] : memref<100000x128xf32, #tpu.memory_space<hbm>> -> memref<100000x128xf32, #tpu.memory_space<hbm>>
    tpu.enqueue_indirect_dma source(%dma_start3A_200 : memref<100000x128xf32, #tpu.memory_space<hbm>>) target(%dma_start3A_194 : memref<128x128xf32, #tpu.memory_space<vmem>>) offsets(%dma_start3A_197 : memref<128xi32, #tpu.memory_space<vmem>>) semaphore(%arg7 : memref<!tpu.dma_semaphore, #tpu.memory_space<semaphore_mem>>)
    %dma_wait3A_201 = arith.constant 3 : i32
    %dma_wait3A_202 = arith.constant 3 : i32
    %dma_wait3A_203 = arith.constant 0 : i32
    %dma_wait3A_204 = arith.constant 0 : i32
    %dma_wait3A_205 = tpu.memref_slice %arg6[%dma_wait3A_202, %dma_wait3A_203, %dma_wait3A_204] : memref<7x128x128xf32, #tpu.memory_space<vmem>> -> memref<1x128x128xf32, #tpu.memory_space<vmem>>
    %dma_wait3A_206 = tpu.memref_squeeze %dma_wait3A_205 : memref<1x128x128xf32, #tpu.memory_space<vmem>> -> memref<128x128xf32, #tpu.memory_space<vmem>>
    %dma_wait3A_207 = arith.constant 0 : i32
    %dma_wait3A_208 = tpu.memref_slice %arg5[%dma_wait3A_201, %dma_wait3A_207] : memref<50x128xi32, #tpu.memory_space<vmem>> -> memref<1x128xi32, #tpu.memory_space<vmem>>
    %dma_wait3A_209 = tpu.memref_squeeze %dma_wait3A_208 : memref<1x128xi32, #tpu.memory_space<vmem>> -> memref<128xi32, #tpu.memory_space<vmem>>
    %dma_wait3A_210 = arith.constant 0 : i32
    %dma_wait3A_211 = arith.constant 0 : i32
    %dma_wait3A_212 = tpu.memref_slice %arg3[%dma_wait3A_210, %dma_wait3A_211] : memref<100000x128xf32, #tpu.memory_space<hbm>> -> memref<100000x128xf32, #tpu.memory_space<hbm>>
    tpu.wait_indirect_dma semaphore(%arg10 : memref<!tpu.dma_semaphore, #tpu.memory_space<semaphore_mem>>) src(%dma_wait3A_212 : memref<100000x128xf32, #tpu.memory_space<hbm>>) dst(%dma_wait3A_206 : memref<128x128xf32, #tpu.memory_space<vmem>>)
    %add3A_213 = arith.constant 3 : i32
    %add3A_214 = arith.addi %mul3A_2, %add3A_213 : i32
    %mul3A_215 = arith.constant 128 : i32
    %mul3A_216 = arith.muli %add3A_214, %mul3A_215 : i32
    %dma_start3A_217 = arith.constant 3 : i32
    %dma_start3A_218 = arith.constant 0 : i32
    %dma_start3A_219 = arith.constant 0 : i32
    %dma_start3A_220 = tpu.memref_slice %arg6[%dma_start3A_217, %dma_start3A_218, %dma_start3A_219] : memref<7x128x128xf32, #tpu.memory_space<vmem>> -> memref<1x128x128xf32, #tpu.memory_space<vmem>>
    %dma_start3A_221 = tpu.memref_squeeze %dma_start3A_220 : memref<1x128x128xf32, #tpu.memory_space<vmem>> -> memref<128x128xf32, #tpu.memory_space<vmem>>
    %dma_start3A_222 = arith.constant 0 : i32
    %dma_start3A_223 = tpu.memref_slice %arg4[%mul3A_216, %dma_start3A_222] : memref<204800x128xf32, #tpu.memory_space<hbm>> -> memref<128x128xf32, #tpu.memory_space<hbm>>
    %dma_start3A_224 = arith.constant 0 : i32
    %dma_start3A_225 = tpu.memref_slice %arg4[%mul3A_216, %dma_start3A_224] : memref<204800x128xf32, #tpu.memory_space<hbm>> -> memref<128x128xf32, #tpu.memory_space<hbm>>
    %dma_start3A_226 = arith.constant 0 : i32
    %dma_start3A_227 = arith.constant 0 : i32
    %dma_start3A_228 = tpu.memref_slice %arg6[%dma_start3A_217, %dma_start3A_226, %dma_start3A_227] : memref<7x128x128xf32, #tpu.memory_space<vmem>> -> memref<1x128x128xf32, #tpu.memory_space<vmem>>
    %dma_start3A_229 = tpu.memref_squeeze %dma_start3A_228 : memref<1x128x128xf32, #tpu.memory_space<vmem>> -> memref<128x128xf32, #tpu.memory_space<vmem>>
    tpu.enqueue_dma source(%dma_start3A_229 : memref<128x128xf32, #tpu.memory_space<vmem>>) target(%dma_start3A_225 : memref<128x128xf32, #tpu.memory_space<hbm>>) target_semaphore(%arg17 : memref<!tpu.dma_semaphore, #tpu.memory_space<semaphore_mem>>)
    %scan3A = arith.constant 0 : i32
    %scan3A_230 = arith.constant 6 : i32
    %scan3A_231 = arith.addi %scan3A, %scan3A_230 : i32
    %scan3A_232 = arith.constant 1 : i32
    scf.for %scan3A_469 = %scan3A to %scan3A_231 step %scan3A_232  : i32 {
      %mul3A_470 = arith.constant 7 : i32
      %mul3A_471 = arith.muli %scan3A_469, %mul3A_470 : i32
      %add3A_472 = arith.constant 4 : i32
      %add3A_473 = arith.addi %add3A_472, %mul3A_471 : i32
      %add3A_474 = arith.constant 0 : i32
      %add3A_475 = arith.addi %add3A_473, %add3A_474 : i32
      %add3A_476 = arith.constant 4 : i32
      %add3A_477 = arith.addi %add3A_475, %add3A_476 : i32
      %sub3A = arith.constant 7 : i32
      %sub3A_478 = arith.subi %add3A_477, %sub3A : i32
      %add3A_479 = arith.addi %mul3A_2, %sub3A_478 : i32
      %mul3A_480 = arith.constant 128 : i32
      %mul3A_481 = arith.muli %add3A_479, %mul3A_480 : i32
      %dma_wait3A_482 = arith.constant 1 : i32
      %dma_wait3A_483 = arith.constant 0 : i32
      %dma_wait3A_484 = arith.constant 0 : i32
      %dma_wait3A_485 = tpu.memref_slice %arg6[%dma_wait3A_482, %dma_wait3A_483, %dma_wait3A_484] : memref<7x128x128xf32, #tpu.memory_space<vmem>> -> memref<1x128x128xf32, #tpu.memory_space<vmem>>
      %dma_wait3A_486 = tpu.memref_squeeze %dma_wait3A_485 : memref<1x128x128xf32, #tpu.memory_space<vmem>> -> memref<128x128xf32, #tpu.memory_space<vmem>>
      %dma_wait3A_487 = arith.constant 0 : i32
      %dma_wait3A_488 = tpu.memref_slice %arg4[%mul3A_481, %dma_wait3A_487] : memref<204800x128xf32, #tpu.memory_space<hbm>> -> memref<128x128xf32, #tpu.memory_space<hbm>>
      %dma_wait3A_489 = arith.constant 0 : i32
      %dma_wait3A_490 = tpu.memref_slice %arg4[%mul3A_481, %dma_wait3A_489] : memref<204800x128xf32, #tpu.memory_space<hbm>> -> memref<128x128xf32, #tpu.memory_space<hbm>>
      %dma_wait3A_491 = arith.constant 0 : i32
      %dma_wait3A_492 = arith.constant 0 : i32
      %dma_wait3A_493 = tpu.memref_slice %arg6[%dma_wait3A_482, %dma_wait3A_491, %dma_wait3A_492] : memref<7x128x128xf32, #tpu.memory_space<vmem>> -> memref<1x128x128xf32, #tpu.memory_space<vmem>>
      %dma_wait3A_494 = tpu.memref_squeeze %dma_wait3A_493 : memref<1x128x128xf32, #tpu.memory_space<vmem>> -> memref<128x128xf32, #tpu.memory_space<vmem>>
      tpu.wait_dma2 semaphore(%arg15 : memref<!tpu.dma_semaphore, #tpu.memory_space<semaphore_mem>>) src(%dma_wait3A_494 : memref<128x128xf32, #tpu.memory_space<vmem>>) dst(%dma_wait3A_490 : memref<128x128xf32, #tpu.memory_space<hbm>>)
      %add3A_495 = arith.constant 4 : i32
      %add3A_496 = arith.addi %add3A_475, %add3A_495 : i32
      %dma_start3A_497 = arith.constant 1 : i32
      %dma_start3A_498 = arith.constant 0 : i32
      %dma_start3A_499 = arith.constant 0 : i32
      %dma_start3A_500 = tpu.memref_slice %arg6[%dma_start3A_497, %dma_start3A_498, %dma_start3A_499] : memref<7x128x128xf32, #tpu.memory_space<vmem>> -> memref<1x128x128xf32, #tpu.memory_space<vmem>>
      %dma_start3A_501 = tpu.memref_squeeze %dma_start3A_500 : memref<1x128x128xf32, #tpu.memory_space<vmem>> -> memref<128x128xf32, #tpu.memory_space<vmem>>
      %dma_start3A_502 = arith.constant 0 : i32
      %dma_start3A_503 = tpu.memref_slice %arg5[%add3A_496, %dma_start3A_502] : memref<50x128xi32, #tpu.memory_space<vmem>> -> memref<1x128xi32, #tpu.memory_space<vmem>>
      %dma_start3A_504 = tpu.memref_squeeze %dma_start3A_503 : memref<1x128xi32, #tpu.memory_space<vmem>> -> memref<128xi32, #tpu.memory_space<vmem>>
      %dma_start3A_505 = arith.constant 0 : i32
      %dma_start3A_506 = arith.constant 0 : i32
      %dma_start3A_507 = tpu.memref_slice %arg3[%dma_start3A_505, %dma_start3A_506] : memref<100000x128xf32, #tpu.memory_space<hbm>> -> memref<100000x128xf32, #tpu.memory_space<hbm>>
      tpu.enqueue_indirect_dma source(%dma_start3A_507 : memref<100000x128xf32, #tpu.memory_space<hbm>>) target(%dma_start3A_501 : memref<128x128xf32, #tpu.memory_space<vmem>>) offsets(%dma_start3A_504 : memref<128xi32, #tpu.memory_space<vmem>>) semaphore(%arg8 : memref<!tpu.dma_semaphore, #tpu.memory_space<semaphore_mem>>)
      %dma_wait3A_508 = arith.constant 4 : i32
      %dma_wait3A_509 = arith.constant 0 : i32
      %dma_wait3A_510 = arith.constant 0 : i32
      %dma_wait3A_511 = tpu.memref_slice %arg6[%dma_wait3A_508, %dma_wait3A_509, %dma_wait3A_510] : memref<7x128x128xf32, #tpu.memory_space<vmem>> -> memref<1x128x128xf32, #tpu.memory_space<vmem>>
      %dma_wait3A_512 = tpu.memref_squeeze %dma_wait3A_511 : memref<1x128x128xf32, #tpu.memory_space<vmem>> -> memref<128x128xf32, #tpu.memory_space<vmem>>
      %dma_wait3A_513 = arith.constant 0 : i32
      %dma_wait3A_514 = tpu.memref_slice %arg5[%add3A_475, %dma_wait3A_513] : memref<50x128xi32, #tpu.memory_space<vmem>> -> memref<1x128xi32, #tpu.memory_space<vmem>>
      %dma_wait3A_515 = tpu.memref_squeeze %dma_wait3A_514 : memref<1x128xi32, #tpu.memory_space<vmem>> -> memref<128xi32, #tpu.memory_space<vmem>>
      %dma_wait3A_516 = arith.constant 0 : i32
      %dma_wait3A_517 = arith.constant 0 : i32
      %dma_wait3A_518 = tpu.memref_slice %arg3[%dma_wait3A_516, %dma_wait3A_517] : memref<100000x128xf32, #tpu.memory_space<hbm>> -> memref<100000x128xf32, #tpu.memory_space<hbm>>
      tpu.wait_indirect_dma semaphore(%arg11 : memref<!tpu.dma_semaphore, #tpu.memory_space<semaphore_mem>>) src(%dma_wait3A_518 : memref<100000x128xf32, #tpu.memory_space<hbm>>) dst(%dma_wait3A_512 : memref<128x128xf32, #tpu.memory_space<vmem>>)
      %add3A_519 = arith.addi %mul3A_2, %add3A_475 : i32
      %mul3A_520 = arith.constant 128 : i32
      %mul3A_521 = arith.muli %add3A_519, %mul3A_520 : i32
      %dma_start3A_522 = arith.constant 4 : i32
      %dma_start3A_523 = arith.constant 0 : i32
      %dma_start3A_524 = arith.constant 0 : i32
      %dma_start3A_525 = tpu.memref_slice %arg6[%dma_start3A_522, %dma_start3A_523, %dma_start3A_524] : memref<7x128x128xf32, #tpu.memory_space<vmem>> -> memref<1x128x128xf32, #tpu.memory_space<vmem>>
      %dma_start3A_526 = tpu.memref_squeeze %dma_start3A_525 : memref<1x128x128xf32, #tpu.memory_space<vmem>> -> memref<128x128xf32, #tpu.memory_space<vmem>>
      %dma_start3A_527 = arith.constant 0 : i32
      %dma_start3A_528 = tpu.memref_slice %arg4[%mul3A_521, %dma_start3A_527] : memref<204800x128xf32, #tpu.memory_space<hbm>> -> memref<128x128xf32, #tpu.memory_space<hbm>>
      %dma_start3A_529 = arith.constant 0 : i32
      %dma_start3A_530 = tpu.memref_slice %arg4[%mul3A_521, %dma_start3A_529] : memref<204800x128xf32, #tpu.memory_space<hbm>> -> memref<128x128xf32, #tpu.memory_space<hbm>>
      %dma_start3A_531 = arith.constant 0 : i32
      %dma_start3A_532 = arith.constant 0 : i32
      %dma_start3A_533 = tpu.memref_slice %arg6[%dma_start3A_522, %dma_start3A_531, %dma_start3A_532] : memref<7x128x128xf32, #tpu.memory_space<vmem>> -> memref<1x128x128xf32, #tpu.memory_space<vmem>>
      %dma_start3A_534 = tpu.memref_squeeze %dma_start3A_533 : memref<1x128x128xf32, #tpu.memory_space<vmem>> -> memref<128x128xf32, #tpu.memory_space<vmem>>
      tpu.enqueue_dma source(%dma_start3A_534 : memref<128x128xf32, #tpu.memory_space<vmem>>) target(%dma_start3A_530 : memref<128x128xf32, #tpu.memory_space<hbm>>) target_semaphore(%arg18 : memref<!tpu.dma_semaphore, #tpu.memory_space<semaphore_mem>>)
      %add3A_535 = arith.constant 1 : i32
      %add3A_536 = arith.addi %add3A_473, %add3A_535 : i32
      %add3A_537 = arith.constant 4 : i32
      %add3A_538 = arith.addi %add3A_536, %add3A_537 : i32
      %sub3A_539 = arith.constant 7 : i32
      %sub3A_540 = arith.subi %add3A_538, %sub3A_539 : i32
      %add3A_541 = arith.addi %mul3A_2, %sub3A_540 : i32
      %mul3A_542 = arith.constant 128 : i32
      %mul3A_543 = arith.muli %add3A_541, %mul3A_542 : i32
      %dma_wait3A_544 = arith.constant 2 : i32
      %dma_wait3A_545 = arith.constant 0 : i32
      %dma_wait3A_546 = arith.constant 0 : i32
      %dma_wait3A_547 = tpu.memref_slice %arg6[%dma_wait3A_544, %dma_wait3A_545, %dma_wait3A_546] : memref<7x128x128xf32, #tpu.memory_space<vmem>> -> memref<1x128x128xf32, #tpu.memory_space<vmem>>
      %dma_wait3A_548 = tpu.memref_squeeze %dma_wait3A_547 : memref<1x128x128xf32, #tpu.memory_space<vmem>> -> memref<128x128xf32, #tpu.memory_space<vmem>>
      %dma_wait3A_549 = arith.constant 0 : i32
      %dma_wait3A_550 = tpu.memref_slice %arg4[%mul3A_543, %dma_wait3A_549] : memref<204800x128xf32, #tpu.memory_space<hbm>> -> memref<128x128xf32, #tpu.memory_space<hbm>>
      %dma_wait3A_551 = arith.constant 0 : i32
      %dma_wait3A_552 = tpu.memref_slice %arg4[%mul3A_543, %dma_wait3A_551] : memref<204800x128xf32, #tpu.memory_space<hbm>> -> memref<128x128xf32, #tpu.memory_space<hbm>>
      %dma_wait3A_553 = arith.constant 0 : i32
      %dma_wait3A_554 = arith.constant 0 : i32
      %dma_wait3A_555 = tpu.memref_slice %arg6[%dma_wait3A_544, %dma_wait3A_553, %dma_wait3A_554] : memref<7x128x128xf32, #tpu.memory_space<vmem>> -> memref<1x128x128xf32, #tpu.memory_space<vmem>>
      %dma_wait3A_556 = tpu.memref_squeeze %dma_wait3A_555 : memref<1x128x128xf32, #tpu.memory_space<vmem>> -> memref<128x128xf32, #tpu.memory_space<vmem>>
      tpu.wait_dma2 semaphore(%arg16 : memref<!tpu.dma_semaphore, #tpu.memory_space<semaphore_mem>>) src(%dma_wait3A_556 : memref<128x128xf32, #tpu.memory_space<vmem>>) dst(%dma_wait3A_552 : memref<128x128xf32, #tpu.memory_space<hbm>>)
      %add3A_557 = arith.constant 4 : i32
      %add3A_558 = arith.addi %add3A_536, %add3A_557 : i32
      %dma_start3A_559 = arith.constant 2 : i32
      %dma_start3A_560 = arith.constant 0 : i32
      %dma_start3A_561 = arith.constant 0 : i32
      %dma_start3A_562 = tpu.memref_slice %arg6[%dma_start3A_559, %dma_start3A_560, %dma_start3A_561] : memref<7x128x128xf32, #tpu.memory_space<vmem>> -> memref<1x128x128xf32, #tpu.memory_space<vmem>>
      %dma_start3A_563 = tpu.memref_squeeze %dma_start3A_562 : memref<1x128x128xf32, #tpu.memory_space<vmem>> -> memref<128x128xf32, #tpu.memory_space<vmem>>
      %dma_start3A_564 = arith.constant 0 : i32
      %dma_start3A_565 = tpu.memref_slice %arg5[%add3A_558, %dma_start3A_564] : memref<50x128xi32, #tpu.memory_space<vmem>> -> memref<1x128xi32, #tpu.memory_space<vmem>>
      %dma_start3A_566 = tpu.memref_squeeze %dma_start3A_565 : memref<1x128xi32, #tpu.memory_space<vmem>> -> memref<128xi32, #tpu.memory_space<vmem>>
      %dma_start3A_567 = arith.constant 0 : i32
      %dma_start3A_568 = arith.constant 0 : i32
      %dma_start3A_569 = tpu.memref_slice %arg3[%dma_start3A_567, %dma_start3A_568] : memref<100000x128xf32, #tpu.memory_space<hbm>> -> memref<100000x128xf32, #tpu.memory_space<hbm>>
      tpu.enqueue_indirect_dma source(%dma_start3A_569 : memref<100000x128xf32, #tpu.memory_space<hbm>>) target(%dma_start3A_563 : memref<128x128xf32, #tpu.memory_space<vmem>>) offsets(%dma_start3A_566 : memref<128xi32, #tpu.memory_space<vmem>>) semaphore(%arg9 : memref<!tpu.dma_semaphore, #tpu.memory_space<semaphore_mem>>)
      %dma_wait3A_570 = arith.constant 5 : i32
      %dma_wait3A_571 = arith.constant 0 : i32
      %dma_wait3A_572 = arith.constant 0 : i32
      %dma_wait3A_573 = tpu.memref_slice %arg6[%dma_wait3A_570, %dma_wait3A_571, %dma_wait3A_572] : memref<7x128x128xf32, #tpu.memory_space<vmem>> -> memref<1x128x128xf32, #tpu.memory_space<vmem>>
      %dma_wait3A_574 = tpu.memref_squeeze %dma_wait3A_573 : memref<1x128x128xf32, #tpu.memory_space<vmem>> -> memref<128x128xf32, #tpu.memory_space<vmem>>
      %dma_wait3A_575 = arith.constant 0 : i32
      %dma_wait3A_576 = tpu.memref_slice %arg5[%add3A_536, %dma_wait3A_575] : memref<50x128xi32, #tpu.memory_space<vmem>> -> memref<1x128xi32, #tpu.memory_space<vmem>>
      %dma_wait3A_577 = tpu.memref_squeeze %dma_wait3A_576 : memref<1x128xi32, #tpu.memory_space<vmem>> -> memref<128xi32, #tpu.memory_space<vmem>>
      %dma_wait3A_578 = arith.constant 0 : i32
      %dma_wait3A_579 = arith.constant 0 : i32
      %dma_wait3A_580 = tpu.memref_slice %arg3[%dma_wait3A_578, %dma_wait3A_579] : memref<100000x128xf32, #tpu.memory_space<hbm>> -> memref<100000x128xf32, #tpu.memory_space<hbm>>
      tpu.wait_indirect_dma semaphore(%arg12 : memref<!tpu.dma_semaphore, #tpu.memory_space<semaphore_mem>>) src(%dma_wait3A_580 : memref<100000x128xf32, #tpu.memory_space<hbm>>) dst(%dma_wait3A_574 : memref<128x128xf32, #tpu.memory_space<vmem>>)
      %add3A_581 = arith.addi %mul3A_2, %add3A_536 : i32
      %mul3A_582 = arith.constant 128 : i32
      %mul3A_583 = arith.muli %add3A_581, %mul3A_582 : i32
      %dma_start3A_584 = arith.constant 5 : i32
      %dma_start3A_585 = arith.constant 0 : i32
      %dma_start3A_586 = arith.constant 0 : i32
      %dma_start3A_587 = tpu.memref_slice %arg6[%dma_start3A_584, %dma_start3A_585, %dma_start3A_586] : memref<7x128x128xf32, #tpu.memory_space<vmem>> -> memref<1x128x128xf32, #tpu.memory_space<vmem>>
      %dma_start3A_588 = tpu.memref_squeeze %dma_start3A_587 : memref<1x128x128xf32, #tpu.memory_space<vmem>> -> memref<128x128xf32, #tpu.memory_space<vmem>>
      %dma_start3A_589 = arith.constant 0 : i32
      %dma_start3A_590 = tpu.memref_slice %arg4[%mul3A_583, %dma_start3A_589] : memref<204800x128xf32, #tpu.memory_space<hbm>> -> memref<128x128xf32, #tpu.memory_space<hbm>>
      %dma_start3A_591 = arith.constant 0 : i32
      %dma_start3A_592 = tpu.memref_slice %arg4[%mul3A_583, %dma_start3A_591] : memref<204800x128xf32, #tpu.memory_space<hbm>> -> memref<128x128xf32, #tpu.memory_space<hbm>>
      %dma_start3A_593 = arith.constant 0 : i32
      %dma_start3A_594 = arith.constant 0 : i32
      %dma_start3A_595 = tpu.memref_slice %arg6[%dma_start3A_584, %dma_start3A_593, %dma_start3A_594] : memref<7x128x128xf32, #tpu.memory_space<vmem>> -> memref<1x128x128xf32, #tpu.memory_space<vmem>>
      %dma_start3A_596 = tpu.memref_squeeze %dma_start3A_595 : memref<1x128x128xf32, #tpu.memory_space<vmem>> -> memref<128x128xf32, #tpu.memory_space<vmem>>
      tpu.enqueue_dma source(%dma_start3A_596 : memref<128x128xf32, #tpu.memory_space<vmem>>) target(%dma_start3A_592 : memref<128x128xf32, #tpu.memory_space<hbm>>) target_semaphore(%arg19 : memref<!tpu.dma_semaphore, #tpu.memory_space<semaphore_mem>>)
      %add3A_597 = arith.constant 2 : i32
      %add3A_598 = arith.addi %add3A_473, %add3A_597 : i32
      %add3A_599 = arith.constant 4 : i32
      %add3A_600 = arith.addi %add3A_598, %add3A_599 : i32
      %sub3A_601 = arith.constant 7 : i32
      %sub3A_602 = arith.subi %add3A_600, %sub3A_601 : i32
      %add3A_603 = arith.addi %mul3A_2, %sub3A_602 : i32
      %mul3A_604 = arith.constant 128 : i32
      %mul3A_605 = arith.muli %add3A_603, %mul3A_604 : i32
      %dma_wait3A_606 = arith.constant 3 : i32
      %dma_wait3A_607 = arith.constant 0 : i32
      %dma_wait3A_608 = arith.constant 0 : i32
      %dma_wait3A_609 = tpu.memref_slice %arg6[%dma_wait3A_606, %dma_wait3A_607, %dma_wait3A_608] : memref<7x128x128xf32, #tpu.memory_space<vmem>> -> memref<1x128x128xf32, #tpu.memory_space<vmem>>
      %dma_wait3A_610 = tpu.memref_squeeze %dma_wait3A_609 : memref<1x128x128xf32, #tpu.memory_space<vmem>> -> memref<128x128xf32, #tpu.memory_space<vmem>>
      %dma_wait3A_611 = arith.constant 0 : i32
      %dma_wait3A_612 = tpu.memref_slice %arg4[%mul3A_605, %dma_wait3A_611] : memref<204800x128xf32, #tpu.memory_space<hbm>> -> memref<128x128xf32, #tpu.memory_space<hbm>>
      %dma_wait3A_613 = arith.constant 0 : i32
      %dma_wait3A_614 = tpu.memref_slice %arg4[%mul3A_605, %dma_wait3A_613] : memref<204800x128xf32, #tpu.memory_space<hbm>> -> memref<128x128xf32, #tpu.memory_space<hbm>>
      %dma_wait3A_615 = arith.constant 0 : i32
      %dma_wait3A_616 = arith.constant 0 : i32
      %dma_wait3A_617 = tpu.memref_slice %arg6[%dma_wait3A_606, %dma_wait3A_615, %dma_wait3A_616] : memref<7x128x128xf32, #tpu.memory_space<vmem>> -> memref<1x128x128xf32, #tpu.memory_space<vmem>>
      %dma_wait3A_618 = tpu.memref_squeeze %dma_wait3A_617 : memref<1x128x128xf32, #tpu.memory_space<vmem>> -> memref<128x128xf32, #tpu.memory_space<vmem>>
      tpu.wait_dma2 semaphore(%arg17 : memref<!tpu.dma_semaphore, #tpu.memory_space<semaphore_mem>>) src(%dma_wait3A_618 : memref<128x128xf32, #tpu.memory_space<vmem>>) dst(%dma_wait3A_614 : memref<128x128xf32, #tpu.memory_space<hbm>>)
      %add3A_619 = arith.constant 4 : i32
      %add3A_620 = arith.addi %add3A_598, %add3A_619 : i32
      %dma_start3A_621 = arith.constant 3 : i32
      %dma_start3A_622 = arith.constant 0 : i32
      %dma_start3A_623 = arith.constant 0 : i32
      %dma_start3A_624 = tpu.memref_slice %arg6[%dma_start3A_621, %dma_start3A_622, %dma_start3A_623] : memref<7x128x128xf32, #tpu.memory_space<vmem>> -> memref<1x128x128xf32, #tpu.memory_space<vmem>>
      %dma_start3A_625 = tpu.memref_squeeze %dma_start3A_624 : memref<1x128x128xf32, #tpu.memory_space<vmem>> -> memref<128x128xf32, #tpu.memory_space<vmem>>
      %dma_start3A_626 = arith.constant 0 : i32
      %dma_start3A_627 = tpu.memref_slice %arg5[%add3A_620, %dma_start3A_626] : memref<50x128xi32, #tpu.memory_space<vmem>> -> memref<1x128xi32, #tpu.memory_space<vmem>>
      %dma_start3A_628 = tpu.memref_squeeze %dma_start3A_627 : memref<1x128xi32, #tpu.memory_space<vmem>> -> memref<128xi32, #tpu.memory_space<vmem>>
      %dma_start3A_629 = arith.constant 0 : i32
      %dma_start3A_630 = arith.constant 0 : i32
      %dma_start3A_631 = tpu.memref_slice %arg3[%dma_start3A_629, %dma_start3A_630] : memref<100000x128xf32, #tpu.memory_space<hbm>> -> memref<100000x128xf32, #tpu.memory_space<hbm>>
      tpu.enqueue_indirect_dma source(%dma_start3A_631 : memref<100000x128xf32, #tpu.memory_space<hbm>>) target(%dma_start3A_625 : memref<128x128xf32, #tpu.memory_space<vmem>>) offsets(%dma_start3A_628 : memref<128xi32, #tpu.memory_space<vmem>>) semaphore(%arg10 : memref<!tpu.dma_semaphore, #tpu.memory_space<semaphore_mem>>)
      %dma_wait3A_632 = arith.constant 6 : i32
      %dma_wait3A_633 = arith.constant 0 : i32
      %dma_wait3A_634 = arith.constant 0 : i32
      %dma_wait3A_635 = tpu.memref_slice %arg6[%dma_wait3A_632, %dma_wait3A_633, %dma_wait3A_634] : memref<7x128x128xf32, #tpu.memory_space<vmem>> -> memref<1x128x128xf32, #tpu.memory_space<vmem>>
      %dma_wait3A_636 = tpu.memref_squeeze %dma_wait3A_635 : memref<1x128x128xf32, #tpu.memory_space<vmem>> -> memref<128x128xf32, #tpu.memory_space<vmem>>
      %dma_wait3A_637 = arith.constant 0 : i32
      %dma_wait3A_638 = tpu.memref_slice %arg5[%add3A_598, %dma_wait3A_637] : memref<50x128xi32, #tpu.memory_space<vmem>> -> memref<1x128xi32, #tpu.memory_space<vmem>>
      %dma_wait3A_639 = tpu.memref_squeeze %dma_wait3A_638 : memref<1x128xi32, #tpu.memory_space<vmem>> -> memref<128xi32, #tpu.memory_space<vmem>>
      %dma_wait3A_640 = arith.constant 0 : i32
      %dma_wait3A_641 = arith.constant 0 : i32
      %dma_wait3A_642 = tpu.memref_slice %arg3[%dma_wait3A_640, %dma_wait3A_641] : memref<100000x128xf32, #tpu.memory_space<hbm>> -> memref<100000x128xf32, #tpu.memory_space<hbm>>
      tpu.wait_indirect_dma semaphore(%arg13 : memref<!tpu.dma_semaphore, #tpu.memory_space<semaphore_mem>>) src(%dma_wait3A_642 : memref<100000x128xf32, #tpu.memory_space<hbm>>) dst(%dma_wait3A_636 : memref<128x128xf32, #tpu.memory_space<vmem>>)
      %add3A_643 = arith.addi %mul3A_2, %add3A_598 : i32
      %mul3A_644 = arith.constant 128 : i32
      %mul3A_645 = arith.muli %add3A_643, %mul3A_644 : i32
      %dma_start3A_646 = arith.constant 6 : i32
      %dma_start3A_647 = arith.constant 0 : i32
      %dma_start3A_648 = arith.constant 0 : i32
      %dma_start3A_649 = tpu.memref_slice %arg6[%dma_start3A_646, %dma_start3A_647, %dma_start3A_648] : memref<7x128x128xf32, #tpu.memory_space<vmem>> -> memref<1x128x128xf32, #tpu.memory_space<vmem>>
      %dma_start3A_650 = tpu.memref_squeeze %dma_start3A_649 : memref<1x128x128xf32, #tpu.memory_space<vmem>> -> memref<128x128xf32, #tpu.memory_space<vmem>>
      %dma_start3A_651 = arith.constant 0 : i32
      %dma_start3A_652 = tpu.memref_slice %arg4[%mul3A_645, %dma_start3A_651] : memref<204800x128xf32, #tpu.memory_space<hbm>> -> memref<128x128xf32, #tpu.memory_space<hbm>>
      %dma_start3A_653 = arith.constant 0 : i32
      %dma_start3A_654 = tpu.memref_slice %arg4[%mul3A_645, %dma_start3A_653] : memref<204800x128xf32, #tpu.memory_space<hbm>> -> memref<128x128xf32, #tpu.memory_space<hbm>>
      %dma_start3A_655 = arith.constant 0 : i32
      %dma_start3A_656 = arith.constant 0 : i32
      %dma_start3A_657 = tpu.memref_slice %arg6[%dma_start3A_646, %dma_start3A_655, %dma_start3A_656] : memref<7x128x128xf32, #tpu.memory_space<vmem>> -> memref<1x128x128xf32, #tpu.memory_space<vmem>>
      %dma_start3A_658 = tpu.memref_squeeze %dma_start3A_657 : memref<1x128x128xf32, #tpu.memory_space<vmem>> -> memref<128x128xf32, #tpu.memory_space<vmem>>
      tpu.enqueue_dma source(%dma_start3A_658 : memref<128x128xf32, #tpu.memory_space<vmem>>) target(%dma_start3A_654 : memref<128x128xf32, #tpu.memory_space<hbm>>) target_semaphore(%arg20 : memref<!tpu.dma_semaphore, #tpu.memory_space<semaphore_mem>>)
      %add3A_659 = arith.constant 3 : i32
      %add3A_660 = arith.addi %add3A_473, %add3A_659 : i32
      %add3A_661 = arith.constant 4 : i32
      %add3A_662 = arith.addi %add3A_660, %add3A_661 : i32
      %sub3A_663 = arith.constant 7 : i32
      %sub3A_664 = arith.subi %add3A_662, %sub3A_663 : i32
      %add3A_665 = arith.addi %mul3A_2, %sub3A_664 : i32
      %mul3A_666 = arith.constant 128 : i32
      %mul3A_667 = arith.muli %add3A_665, %mul3A_666 : i32
      %dma_wait3A_668 = arith.constant 4 : i32
      %dma_wait3A_669 = arith.constant 0 : i32
      %dma_wait3A_670 = arith.constant 0 : i32
      %dma_wait3A_671 = tpu.memref_slice %arg6[%dma_wait3A_668, %dma_wait3A_669, %dma_wait3A_670] : memref<7x128x128xf32, #tpu.memory_space<vmem>> -> memref<1x128x128xf32, #tpu.memory_space<vmem>>
      %dma_wait3A_672 = tpu.memref_squeeze %dma_wait3A_671 : memref<1x128x128xf32, #tpu.memory_space<vmem>> -> memref<128x128xf32, #tpu.memory_space<vmem>>
      %dma_wait3A_673 = arith.constant 0 : i32
      %dma_wait3A_674 = tpu.memref_slice %arg4[%mul3A_667, %dma_wait3A_673] : memref<204800x128xf32, #tpu.memory_space<hbm>> -> memref<128x128xf32, #tpu.memory_space<hbm>>
      %dma_wait3A_675 = arith.constant 0 : i32
      %dma_wait3A_676 = tpu.memref_slice %arg4[%mul3A_667, %dma_wait3A_675] : memref<204800x128xf32, #tpu.memory_space<hbm>> -> memref<128x128xf32, #tpu.memory_space<hbm>>
      %dma_wait3A_677 = arith.constant 0 : i32
      %dma_wait3A_678 = arith.constant 0 : i32
      %dma_wait3A_679 = tpu.memref_slice %arg6[%dma_wait3A_668, %dma_wait3A_677, %dma_wait3A_678] : memref<7x128x128xf32, #tpu.memory_space<vmem>> -> memref<1x128x128xf32, #tpu.memory_space<vmem>>
      %dma_wait3A_680 = tpu.memref_squeeze %dma_wait3A_679 : memref<1x128x128xf32, #tpu.memory_space<vmem>> -> memref<128x128xf32, #tpu.memory_space<vmem>>
      tpu.wait_dma2 semaphore(%arg18 : memref<!tpu.dma_semaphore, #tpu.memory_space<semaphore_mem>>) src(%dma_wait3A_680 : memref<128x128xf32, #tpu.memory_space<vmem>>) dst(%dma_wait3A_676 : memref<128x128xf32, #tpu.memory_space<hbm>>)
      %add3A_681 = arith.constant 4 : i32
      %add3A_682 = arith.addi %add3A_660, %add3A_681 : i32
      %dma_start3A_683 = arith.constant 4 : i32
      %dma_start3A_684 = arith.constant 0 : i32
      %dma_start3A_685 = arith.constant 0 : i32
      %dma_start3A_686 = tpu.memref_slice %arg6[%dma_start3A_683, %dma_start3A_684, %dma_start3A_685] : memref<7x128x128xf32, #tpu.memory_space<vmem>> -> memref<1x128x128xf32, #tpu.memory_space<vmem>>
      %dma_start3A_687 = tpu.memref_squeeze %dma_start3A_686 : memref<1x128x128xf32, #tpu.memory_space<vmem>> -> memref<128x128xf32, #tpu.memory_space<vmem>>
      %dma_start3A_688 = arith.constant 0 : i32
      %dma_start3A_689 = tpu.memref_slice %arg5[%add3A_682, %dma_start3A_688] : memref<50x128xi32, #tpu.memory_space<vmem>> -> memref<1x128xi32, #tpu.memory_space<vmem>>
      %dma_start3A_690 = tpu.memref_squeeze %dma_start3A_689 : memref<1x128xi32, #tpu.memory_space<vmem>> -> memref<128xi32, #tpu.memory_space<vmem>>
      %dma_start3A_691 = arith.constant 0 : i32
      %dma_start3A_692 = arith.constant 0 : i32
      %dma_start3A_693 = tpu.memref_slice %arg3[%dma_start3A_691, %dma_start3A_692] : memref<100000x128xf32, #tpu.memory_space<hbm>> -> memref<100000x128xf32, #tpu.memory_space<hbm>>
      tpu.enqueue_indirect_dma source(%dma_start3A_693 : memref<100000x128xf32, #tpu.memory_space<hbm>>) target(%dma_start3A_687 : memref<128x128xf32, #tpu.memory_space<vmem>>) offsets(%dma_start3A_690 : memref<128xi32, #tpu.memory_space<vmem>>) semaphore(%arg11 : memref<!tpu.dma_semaphore, #tpu.memory_space<semaphore_mem>>)
      %dma_wait3A_694 = arith.constant 0 : i32
      %dma_wait3A_695 = arith.constant 0 : i32
      %dma_wait3A_696 = arith.constant 0 : i32
      %dma_wait3A_697 = tpu.memref_slice %arg6[%dma_wait3A_694, %dma_wait3A_695, %dma_wait3A_696] : memref<7x128x128xf32, #tpu.memory_space<vmem>> -> memref<1x128x128xf32, #tpu.memory_space<vmem>>
      %dma_wait3A_698 = tpu.memref_squeeze %dma_wait3A_697 : memref<1x128x128xf32, #tpu.memory_space<vmem>> -> memref<128x128xf32, #tpu.memory_space<vmem>>
      %dma_wait3A_699 = arith.constant 0 : i32
      %dma_wait3A_700 = tpu.memref_slice %arg5[%add3A_660, %dma_wait3A_699] : memref<50x128xi32, #tpu.memory_space<vmem>> -> memref<1x128xi32, #tpu.memory_space<vmem>>
      %dma_wait3A_701 = tpu.memref_squeeze %dma_wait3A_700 : memref<1x128xi32, #tpu.memory_space<vmem>> -> memref<128xi32, #tpu.memory_space<vmem>>
      %dma_wait3A_702 = arith.constant 0 : i32
      %dma_wait3A_703 = arith.constant 0 : i32
      %dma_wait3A_704 = tpu.memref_slice %arg3[%dma_wait3A_702, %dma_wait3A_703] : memref<100000x128xf32, #tpu.memory_space<hbm>> -> memref<100000x128xf32, #tpu.memory_space<hbm>>
      tpu.wait_indirect_dma semaphore(%arg7 : memref<!tpu.dma_semaphore, #tpu.memory_space<semaphore_mem>>) src(%dma_wait3A_704 : memref<100000x128xf32, #tpu.memory_space<hbm>>) dst(%dma_wait3A_698 : memref<128x128xf32, #tpu.memory_space<vmem>>)
      %add3A_705 = arith.addi %mul3A_2, %add3A_660 : i32
      %mul3A_706 = arith.constant 128 : i32
      %mul3A_707 = arith.muli %add3A_705, %mul3A_706 : i32
      %dma_start3A_708 = arith.constant 0 : i32
      %dma_start3A_709 = arith.constant 0 : i32
      %dma_start3A_710 = arith.constant 0 : i32
      %dma_start3A_711 = tpu.memref_slice %arg6[%dma_start3A_708, %dma_start3A_709, %dma_start3A_710] : memref<7x128x128xf32, #tpu.memory_space<vmem>> -> memref<1x128x128xf32, #tpu.memory_space<vmem>>
      %dma_start3A_712 = tpu.memref_squeeze %dma_start3A_711 : memref<1x128x128xf32, #tpu.memory_space<vmem>> -> memref<128x128xf32, #tpu.memory_space<vmem>>
      %dma_start3A_713 = arith.constant 0 : i32
      %dma_start3A_714 = tpu.memref_slice %arg4[%mul3A_707, %dma_start3A_713] : memref<204800x128xf32, #tpu.memory_space<hbm>> -> memref<128x128xf32, #tpu.memory_space<hbm>>
      %dma_start3A_715 = arith.constant 0 : i32
      %dma_start3A_716 = tpu.memref_slice %arg4[%mul3A_707, %dma_start3A_715] : memref<204800x128xf32, #tpu.memory_space<hbm>> -> memref<128x128xf32, #tpu.memory_space<hbm>>
      %dma_start3A_717 = arith.constant 0 : i32
      %dma_start3A_718 = arith.constant 0 : i32
      %dma_start3A_719 = tpu.memref_slice %arg6[%dma_start3A_708, %dma_start3A_717, %dma_start3A_718] : memref<7x128x128xf32, #tpu.memory_space<vmem>> -> memref<1x128x128xf32, #tpu.memory_space<vmem>>
      %dma_start3A_720 = tpu.memref_squeeze %dma_start3A_719 : memref<1x128x128xf32, #tpu.memory_space<vmem>> -> memref<128x128xf32, #tpu.memory_space<vmem>>
      tpu.enqueue_dma source(%dma_start3A_720 : memref<128x128xf32, #tpu.memory_space<vmem>>) target(%dma_start3A_716 : memref<128x128xf32, #tpu.memory_space<hbm>>) target_semaphore(%arg14 : memref<!tpu.dma_semaphore, #tpu.memory_space<semaphore_mem>>)
      %add3A_721 = arith.constant 4 : i32
      %add3A_722 = arith.addi %add3A_473, %add3A_721 : i32
      %add3A_723 = arith.constant 4 : i32
      %add3A_724 = arith.addi %add3A_722, %add3A_723 : i32
      %sub3A_725 = arith.constant 7 : i32
      %sub3A_726 = arith.subi %add3A_724, %sub3A_725 : i32
      %add3A_727 = arith.addi %mul3A_2, %sub3A_726 : i32
      %mul3A_728 = arith.constant 128 : i32
      %mul3A_729 = arith.muli %add3A_727, %mul3A_728 : i32
      %dma_wait3A_730 = arith.constant 5 : i32
      %dma_wait3A_731 = arith.constant 0 : i32
      %dma_wait3A_732 = arith.constant 0 : i32
      %dma_wait3A_733 = tpu.memref_slice %arg6[%dma_wait3A_730, %dma_wait3A_731, %dma_wait3A_732] : memref<7x128x128xf32, #tpu.memory_space<vmem>> -> memref<1x128x128xf32, #tpu.memory_space<vmem>>
      %dma_wait3A_734 = tpu.memref_squeeze %dma_wait3A_733 : memref<1x128x128xf32, #tpu.memory_space<vmem>> -> memref<128x128xf32, #tpu.memory_space<vmem>>
      %dma_wait3A_735 = arith.constant 0 : i32
      %dma_wait3A_736 = tpu.memref_slice %arg4[%mul3A_729, %dma_wait3A_735] : memref<204800x128xf32, #tpu.memory_space<hbm>> -> memref<128x128xf32, #tpu.memory_space<hbm>>
      %dma_wait3A_737 = arith.constant 0 : i32
      %dma_wait3A_738 = tpu.memref_slice %arg4[%mul3A_729, %dma_wait3A_737] : memref<204800x128xf32, #tpu.memory_space<hbm>> -> memref<128x128xf32, #tpu.memory_space<hbm>>
      %dma_wait3A_739 = arith.constant 0 : i32
      %dma_wait3A_740 = arith.constant 0 : i32
      %dma_wait3A_741 = tpu.memref_slice %arg6[%dma_wait3A_730, %dma_wait3A_739, %dma_wait3A_740] : memref<7x128x128xf32, #tpu.memory_space<vmem>> -> memref<1x128x128xf32, #tpu.memory_space<vmem>>
      %dma_wait3A_742 = tpu.memref_squeeze %dma_wait3A_741 : memref<1x128x128xf32, #tpu.memory_space<vmem>> -> memref<128x128xf32, #tpu.memory_space<vmem>>
      tpu.wait_dma2 semaphore(%arg19 : memref<!tpu.dma_semaphore, #tpu.memory_space<semaphore_mem>>) src(%dma_wait3A_742 : memref<128x128xf32, #tpu.memory_space<vmem>>) dst(%dma_wait3A_738 : memref<128x128xf32, #tpu.memory_space<hbm>>)
      %add3A_743 = arith.constant 4 : i32
      %add3A_744 = arith.addi %add3A_722, %add3A_743 : i32
      %dma_start3A_745 = arith.constant 5 : i32
      %dma_start3A_746 = arith.constant 0 : i32
      %dma_start3A_747 = arith.constant 0 : i32
      %dma_start3A_748 = tpu.memref_slice %arg6[%dma_start3A_745, %dma_start3A_746, %dma_start3A_747] : memref<7x128x128xf32, #tpu.memory_space<vmem>> -> memref<1x128x128xf32, #tpu.memory_space<vmem>>
      %dma_start3A_749 = tpu.memref_squeeze %dma_start3A_748 : memref<1x128x128xf32, #tpu.memory_space<vmem>> -> memref<128x128xf32, #tpu.memory_space<vmem>>
      %dma_start3A_750 = arith.constant 0 : i32
      %dma_start3A_751 = tpu.memref_slice %arg5[%add3A_744, %dma_start3A_750] : memref<50x128xi32, #tpu.memory_space<vmem>> -> memref<1x128xi32, #tpu.memory_space<vmem>>
      %dma_start3A_752 = tpu.memref_squeeze %dma_start3A_751 : memref<1x128xi32, #tpu.memory_space<vmem>> -> memref<128xi32, #tpu.memory_space<vmem>>
      %dma_start3A_753 = arith.constant 0 : i32
      %dma_start3A_754 = arith.constant 0 : i32
      %dma_start3A_755 = tpu.memref_slice %arg3[%dma_start3A_753, %dma_start3A_754] : memref<100000x128xf32, #tpu.memory_space<hbm>> -> memref<100000x128xf32, #tpu.memory_space<hbm>>
      tpu.enqueue_indirect_dma source(%dma_start3A_755 : memref<100000x128xf32, #tpu.memory_space<hbm>>) target(%dma_start3A_749 : memref<128x128xf32, #tpu.memory_space<vmem>>) offsets(%dma_start3A_752 : memref<128xi32, #tpu.memory_space<vmem>>) semaphore(%arg12 : memref<!tpu.dma_semaphore, #tpu.memory_space<semaphore_mem>>)
      %dma_wait3A_756 = arith.constant 1 : i32
      %dma_wait3A_757 = arith.constant 0 : i32
      %dma_wait3A_758 = arith.constant 0 : i32
      %dma_wait3A_759 = tpu.memref_slice %arg6[%dma_wait3A_756, %dma_wait3A_757, %dma_wait3A_758] : memref<7x128x128xf32, #tpu.memory_space<vmem>> -> memref<1x128x128xf32, #tpu.memory_space<vmem>>
      %dma_wait3A_760 = tpu.memref_squeeze %dma_wait3A_759 : memref<1x128x128xf32, #tpu.memory_space<vmem>> -> memref<128x128xf32, #tpu.memory_space<vmem>>
      %dma_wait3A_761 = arith.constant 0 : i32
      %dma_wait3A_762 = tpu.memref_slice %arg5[%add3A_722, %dma_wait3A_761] : memref<50x128xi32, #tpu.memory_space<vmem>> -> memref<1x128xi32, #tpu.memory_space<vmem>>
      %dma_wait3A_763 = tpu.memref_squeeze %dma_wait3A_762 : memref<1x128xi32, #tpu.memory_space<vmem>> -> memref<128xi32, #tpu.memory_space<vmem>>
      %dma_wait3A_764 = arith.constant 0 : i32
      %dma_wait3A_765 = arith.constant 0 : i32
      %dma_wait3A_766 = tpu.memref_slice %arg3[%dma_wait3A_764, %dma_wait3A_765] : memref<100000x128xf32, #tpu.memory_space<hbm>> -> memref<100000x128xf32, #tpu.memory_space<hbm>>
      tpu.wait_indirect_dma semaphore(%arg8 : memref<!tpu.dma_semaphore, #tpu.memory_space<semaphore_mem>>) src(%dma_wait3A_766 : memref<100000x128xf32, #tpu.memory_space<hbm>>) dst(%dma_wait3A_760 : memref<128x128xf32, #tpu.memory_space<vmem>>)
      %add3A_767 = arith.addi %mul3A_2, %add3A_722 : i32
      %mul3A_768 = arith.constant 128 : i32
      %mul3A_769 = arith.muli %add3A_767, %mul3A_768 : i32
      %dma_start3A_770 = arith.constant 1 : i32
      %dma_start3A_771 = arith.constant 0 : i32
      %dma_start3A_772 = arith.constant 0 : i32
      %dma_start3A_773 = tpu.memref_slice %arg6[%dma_start3A_770, %dma_start3A_771, %dma_start3A_772] : memref<7x128x128xf32, #tpu.memory_space<vmem>> -> memref<1x128x128xf32, #tpu.memory_space<vmem>>
      %dma_start3A_774 = tpu.memref_squeeze %dma_start3A_773 : memref<1x128x128xf32, #tpu.memory_space<vmem>> -> memref<128x128xf32, #tpu.memory_space<vmem>>
      %dma_start3A_775 = arith.constant 0 : i32
      %dma_start3A_776 = tpu.memref_slice %arg4[%mul3A_769, %dma_start3A_775] : memref<204800x128xf32, #tpu.memory_space<hbm>> -> memref<128x128xf32, #tpu.memory_space<hbm>>
      %dma_start3A_777 = arith.constant 0 : i32
      %dma_start3A_778 = tpu.memref_slice %arg4[%mul3A_769, %dma_start3A_777] : memref<204800x128xf32, #tpu.memory_space<hbm>> -> memref<128x128xf32, #tpu.memory_space<hbm>>
      %dma_start3A_779 = arith.constant 0 : i32
      %dma_start3A_780 = arith.constant 0 : i32
      %dma_start3A_781 = tpu.memref_slice %arg6[%dma_start3A_770, %dma_start3A_779, %dma_start3A_780] : memref<7x128x128xf32, #tpu.memory_space<vmem>> -> memref<1x128x128xf32, #tpu.memory_space<vmem>>
      %dma_start3A_782 = tpu.memref_squeeze %dma_start3A_781 : memref<1x128x128xf32, #tpu.memory_space<vmem>> -> memref<128x128xf32, #tpu.memory_space<vmem>>
      tpu.enqueue_dma source(%dma_start3A_782 : memref<128x128xf32, #tpu.memory_space<vmem>>) target(%dma_start3A_778 : memref<128x128xf32, #tpu.memory_space<hbm>>) target_semaphore(%arg15 : memref<!tpu.dma_semaphore, #tpu.memory_space<semaphore_mem>>)
      %add3A_783 = arith.constant 5 : i32
      %add3A_784 = arith.addi %add3A_473, %add3A_783 : i32
      %add3A_785 = arith.constant 4 : i32
      %add3A_786 = arith.addi %add3A_784, %add3A_785 : i32
      %sub3A_787 = arith.constant 7 : i32
      %sub3A_788 = arith.subi %add3A_786, %sub3A_787 : i32
      %add3A_789 = arith.addi %mul3A_2, %sub3A_788 : i32
      %mul3A_790 = arith.constant 128 : i32
      %mul3A_791 = arith.muli %add3A_789, %mul3A_790 : i32
      %dma_wait3A_792 = arith.constant 6 : i32
      %dma_wait3A_793 = arith.constant 0 : i32
      %dma_wait3A_794 = arith.constant 0 : i32
      %dma_wait3A_795 = tpu.memref_slice %arg6[%dma_wait3A_792, %dma_wait3A_793, %dma_wait3A_794] : memref<7x128x128xf32, #tpu.memory_space<vmem>> -> memref<1x128x128xf32, #tpu.memory_space<vmem>>
      %dma_wait3A_796 = tpu.memref_squeeze %dma_wait3A_795 : memref<1x128x128xf32, #tpu.memory_space<vmem>> -> memref<128x128xf32, #tpu.memory_space<vmem>>
      %dma_wait3A_797 = arith.constant 0 : i32
      %dma_wait3A_798 = tpu.memref_slice %arg4[%mul3A_791, %dma_wait3A_797] : memref<204800x128xf32, #tpu.memory_space<hbm>> -> memref<128x128xf32, #tpu.memory_space<hbm>>
      %dma_wait3A_799 = arith.constant 0 : i32
      %dma_wait3A_800 = tpu.memref_slice %arg4[%mul3A_791, %dma_wait3A_799] : memref<204800x128xf32, #tpu.memory_space<hbm>> -> memref<128x128xf32, #tpu.memory_space<hbm>>
      %dma_wait3A_801 = arith.constant 0 : i32
      %dma_wait3A_802 = arith.constant 0 : i32
      %dma_wait3A_803 = tpu.memref_slice %arg6[%dma_wait3A_792, %dma_wait3A_801, %dma_wait3A_802] : memref<7x128x128xf32, #tpu.memory_space<vmem>> -> memref<1x128x128xf32, #tpu.memory_space<vmem>>
      %dma_wait3A_804 = tpu.memref_squeeze %dma_wait3A_803 : memref<1x128x128xf32, #tpu.memory_space<vmem>> -> memref<128x128xf32, #tpu.memory_space<vmem>>
      tpu.wait_dma2 semaphore(%arg20 : memref<!tpu.dma_semaphore, #tpu.memory_space<semaphore_mem>>) src(%dma_wait3A_804 : memref<128x128xf32, #tpu.memory_space<vmem>>) dst(%dma_wait3A_800 : memref<128x128xf32, #tpu.memory_space<hbm>>)
      %add3A_805 = arith.constant 4 : i32
      %add3A_806 = arith.addi %add3A_784, %add3A_805 : i32
      %dma_start3A_807 = arith.constant 6 : i32
      %dma_start3A_808 = arith.constant 0 : i32
      %dma_start3A_809 = arith.constant 0 : i32
      %dma_start3A_810 = tpu.memref_slice %arg6[%dma_start3A_807, %dma_start3A_808, %dma_start3A_809] : memref<7x128x128xf32, #tpu.memory_space<vmem>> -> memref<1x128x128xf32, #tpu.memory_space<vmem>>
      %dma_start3A_811 = tpu.memref_squeeze %dma_start3A_810 : memref<1x128x128xf32, #tpu.memory_space<vmem>> -> memref<128x128xf32, #tpu.memory_space<vmem>>
      %dma_start3A_812 = arith.constant 0 : i32
      %dma_start3A_813 = tpu.memref_slice %arg5[%add3A_806, %dma_start3A_812] : memref<50x128xi32, #tpu.memory_space<vmem>> -> memref<1x128xi32, #tpu.memory_space<vmem>>
      %dma_start3A_814 = tpu.memref_squeeze %dma_start3A_813 : memref<1x128xi32, #tpu.memory_space<vmem>> -> memref<128xi32, #tpu.memory_space<vmem>>
      %dma_start3A_815 = arith.constant 0 : i32
      %dma_start3A_816 = arith.constant 0 : i32
      %dma_start3A_817 = tpu.memref_slice %arg3[%dma_start3A_815, %dma_start3A_816] : memref<100000x128xf32, #tpu.memory_space<hbm>> -> memref<100000x128xf32, #tpu.memory_space<hbm>>
      tpu.enqueue_indirect_dma source(%dma_start3A_817 : memref<100000x128xf32, #tpu.memory_space<hbm>>) target(%dma_start3A_811 : memref<128x128xf32, #tpu.memory_space<vmem>>) offsets(%dma_start3A_814 : memref<128xi32, #tpu.memory_space<vmem>>) semaphore(%arg13 : memref<!tpu.dma_semaphore, #tpu.memory_space<semaphore_mem>>)
      %dma_wait3A_818 = arith.constant 2 : i32
      %dma_wait3A_819 = arith.constant 0 : i32
      %dma_wait3A_820 = arith.constant 0 : i32
      %dma_wait3A_821 = tpu.memref_slice %arg6[%dma_wait3A_818, %dma_wait3A_819, %dma_wait3A_820] : memref<7x128x128xf32, #tpu.memory_space<vmem>> -> memref<1x128x128xf32, #tpu.memory_space<vmem>>
      %dma_wait3A_822 = tpu.memref_squeeze %dma_wait3A_821 : memref<1x128x128xf32, #tpu.memory_space<vmem>> -> memref<128x128xf32, #tpu.memory_space<vmem>>
      %dma_wait3A_823 = arith.constant 0 : i32
      %dma_wait3A_824 = tpu.memref_slice %arg5[%add3A_784, %dma_wait3A_823] : memref<50x128xi32, #tpu.memory_space<vmem>> -> memref<1x128xi32, #tpu.memory_space<vmem>>
      %dma_wait3A_825 = tpu.memref_squeeze %dma_wait3A_824 : memref<1x128xi32, #tpu.memory_space<vmem>> -> memref<128xi32, #tpu.memory_space<vmem>>
      %dma_wait3A_826 = arith.constant 0 : i32
      %dma_wait3A_827 = arith.constant 0 : i32
      %dma_wait3A_828 = tpu.memref_slice %arg3[%dma_wait3A_826, %dma_wait3A_827] : memref<100000x128xf32, #tpu.memory_space<hbm>> -> memref<100000x128xf32, #tpu.memory_space<hbm>>
      tpu.wait_indirect_dma semaphore(%arg9 : memref<!tpu.dma_semaphore, #tpu.memory_space<semaphore_mem>>) src(%dma_wait3A_828 : memref<100000x128xf32, #tpu.memory_space<hbm>>) dst(%dma_wait3A_822 : memref<128x128xf32, #tpu.memory_space<vmem>>)
      %add3A_829 = arith.addi %mul3A_2, %add3A_784 : i32
      %mul3A_830 = arith.constant 128 : i32
      %mul3A_831 = arith.muli %add3A_829, %mul3A_830 : i32
      %dma_start3A_832 = arith.constant 2 : i32
      %dma_start3A_833 = arith.constant 0 : i32
      %dma_start3A_834 = arith.constant 0 : i32
      %dma_start3A_835 = tpu.memref_slice %arg6[%dma_start3A_832, %dma_start3A_833, %dma_start3A_834] : memref<7x128x128xf32, #tpu.memory_space<vmem>> -> memref<1x128x128xf32, #tpu.memory_space<vmem>>
      %dma_start3A_836 = tpu.memref_squeeze %dma_start3A_835 : memref<1x128x128xf32, #tpu.memory_space<vmem>> -> memref<128x128xf32, #tpu.memory_space<vmem>>
      %dma_start3A_837 = arith.constant 0 : i32
      %dma_start3A_838 = tpu.memref_slice %arg4[%mul3A_831, %dma_start3A_837] : memref<204800x128xf32, #tpu.memory_space<hbm>> -> memref<128x128xf32, #tpu.memory_space<hbm>>
      %dma_start3A_839 = arith.constant 0 : i32
      %dma_start3A_840 = tpu.memref_slice %arg4[%mul3A_831, %dma_start3A_839] : memref<204800x128xf32, #tpu.memory_space<hbm>> -> memref<128x128xf32, #tpu.memory_space<hbm>>
      %dma_start3A_841 = arith.constant 0 : i32
      %dma_start3A_842 = arith.constant 0 : i32
      %dma_start3A_843 = tpu.memref_slice %arg6[%dma_start3A_832, %dma_start3A_841, %dma_start3A_842] : memref<7x128x128xf32, #tpu.memory_space<vmem>> -> memref<1x128x128xf32, #tpu.memory_space<vmem>>
      %dma_start3A_844 = tpu.memref_squeeze %dma_start3A_843 : memref<1x128x128xf32, #tpu.memory_space<vmem>> -> memref<128x128xf32, #tpu.memory_space<vmem>>
      tpu.enqueue_dma source(%dma_start3A_844 : memref<128x128xf32, #tpu.memory_space<vmem>>) target(%dma_start3A_840 : memref<128x128xf32, #tpu.memory_space<hbm>>) target_semaphore(%arg16 : memref<!tpu.dma_semaphore, #tpu.memory_space<semaphore_mem>>)
      %add3A_845 = arith.constant 6 : i32
      %add3A_846 = arith.addi %add3A_473, %add3A_845 : i32
      %add3A_847 = arith.constant 4 : i32
      %add3A_848 = arith.addi %add3A_846, %add3A_847 : i32
      %sub3A_849 = arith.constant 7 : i32
      %sub3A_850 = arith.subi %add3A_848, %sub3A_849 : i32
      %add3A_851 = arith.addi %mul3A_2, %sub3A_850 : i32
      %mul3A_852 = arith.constant 128 : i32
      %mul3A_853 = arith.muli %add3A_851, %mul3A_852 : i32
      %dma_wait3A_854 = arith.constant 0 : i32
      %dma_wait3A_855 = arith.constant 0 : i32
      %dma_wait3A_856 = arith.constant 0 : i32
      %dma_wait3A_857 = tpu.memref_slice %arg6[%dma_wait3A_854, %dma_wait3A_855, %dma_wait3A_856] : memref<7x128x128xf32, #tpu.memory_space<vmem>> -> memref<1x128x128xf32, #tpu.memory_space<vmem>>
      %dma_wait3A_858 = tpu.memref_squeeze %dma_wait3A_857 : memref<1x128x128xf32, #tpu.memory_space<vmem>> -> memref<128x128xf32, #tpu.memory_space<vmem>>
      %dma_wait3A_859 = arith.constant 0 : i32
      %dma_wait3A_860 = tpu.memref_slice %arg4[%mul3A_853, %dma_wait3A_859] : memref<204800x128xf32, #tpu.memory_space<hbm>> -> memref<128x128xf32, #tpu.memory_space<hbm>>
      %dma_wait3A_861 = arith.constant 0 : i32
      %dma_wait3A_862 = tpu.memref_slice %arg4[%mul3A_853, %dma_wait3A_861] : memref<204800x128xf32, #tpu.memory_space<hbm>> -> memref<128x128xf32, #tpu.memory_space<hbm>>
      %dma_wait3A_863 = arith.constant 0 : i32
      %dma_wait3A_864 = arith.constant 0 : i32
      %dma_wait3A_865 = tpu.memref_slice %arg6[%dma_wait3A_854, %dma_wait3A_863, %dma_wait3A_864] : memref<7x128x128xf32, #tpu.memory_space<vmem>> -> memref<1x128x128xf32, #tpu.memory_space<vmem>>
      %dma_wait3A_866 = tpu.memref_squeeze %dma_wait3A_865 : memref<1x128x128xf32, #tpu.memory_space<vmem>> -> memref<128x128xf32, #tpu.memory_space<vmem>>
      tpu.wait_dma2 semaphore(%arg14 : memref<!tpu.dma_semaphore, #tpu.memory_space<semaphore_mem>>) src(%dma_wait3A_866 : memref<128x128xf32, #tpu.memory_space<vmem>>) dst(%dma_wait3A_862 : memref<128x128xf32, #tpu.memory_space<hbm>>)
      %add3A_867 = arith.constant 4 : i32
      %add3A_868 = arith.addi %add3A_846, %add3A_867 : i32
      %dma_start3A_869 = arith.constant 0 : i32
      %dma_start3A_870 = arith.constant 0 : i32
      %dma_start3A_871 = arith.constant 0 : i32
      %dma_start3A_872 = tpu.memref_slice %arg6[%dma_start3A_869, %dma_start3A_870, %dma_start3A_871] : memref<7x128x128xf32, #tpu.memory_space<vmem>> -> memref<1x128x128xf32, #tpu.memory_space<vmem>>
      %dma_start3A_873 = tpu.memref_squeeze %dma_start3A_872 : memref<1x128x128xf32, #tpu.memory_space<vmem>> -> memref<128x128xf32, #tpu.memory_space<vmem>>
      %dma_start3A_874 = arith.constant 0 : i32
      %dma_start3A_875 = tpu.memref_slice %arg5[%add3A_868, %dma_start3A_874] : memref<50x128xi32, #tpu.memory_space<vmem>> -> memref<1x128xi32, #tpu.memory_space<vmem>>
      %dma_start3A_876 = tpu.memref_squeeze %dma_start3A_875 : memref<1x128xi32, #tpu.memory_space<vmem>> -> memref<128xi32, #tpu.memory_space<vmem>>
      %dma_start3A_877 = arith.constant 0 : i32
      %dma_start3A_878 = arith.constant 0 : i32
      %dma_start3A_879 = tpu.memref_slice %arg3[%dma_start3A_877, %dma_start3A_878] : memref<100000x128xf32, #tpu.memory_space<hbm>> -> memref<100000x128xf32, #tpu.memory_space<hbm>>
      tpu.enqueue_indirect_dma source(%dma_start3A_879 : memref<100000x128xf32, #tpu.memory_space<hbm>>) target(%dma_start3A_873 : memref<128x128xf32, #tpu.memory_space<vmem>>) offsets(%dma_start3A_876 : memref<128xi32, #tpu.memory_space<vmem>>) semaphore(%arg7 : memref<!tpu.dma_semaphore, #tpu.memory_space<semaphore_mem>>)
      %dma_wait3A_880 = arith.constant 3 : i32
      %dma_wait3A_881 = arith.constant 0 : i32
      %dma_wait3A_882 = arith.constant 0 : i32
      %dma_wait3A_883 = tpu.memref_slice %arg6[%dma_wait3A_880, %dma_wait3A_881, %dma_wait3A_882] : memref<7x128x128xf32, #tpu.memory_space<vmem>> -> memref<1x128x128xf32, #tpu.memory_space<vmem>>
      %dma_wait3A_884 = tpu.memref_squeeze %dma_wait3A_883 : memref<1x128x128xf32, #tpu.memory_space<vmem>> -> memref<128x128xf32, #tpu.memory_space<vmem>>
      %dma_wait3A_885 = arith.constant 0 : i32
      %dma_wait3A_886 = tpu.memref_slice %arg5[%add3A_846, %dma_wait3A_885] : memref<50x128xi32, #tpu.memory_space<vmem>> -> memref<1x128xi32, #tpu.memory_space<vmem>>
      %dma_wait3A_887 = tpu.memref_squeeze %dma_wait3A_886 : memref<1x128xi32, #tpu.memory_space<vmem>> -> memref<128xi32, #tpu.memory_space<vmem>>
      %dma_wait3A_888 = arith.constant 0 : i32
      %dma_wait3A_889 = arith.constant 0 : i32
      %dma_wait3A_890 = tpu.memref_slice %arg3[%dma_wait3A_888, %dma_wait3A_889] : memref<100000x128xf32, #tpu.memory_space<hbm>> -> memref<100000x128xf32, #tpu.memory_space<hbm>>
      tpu.wait_indirect_dma semaphore(%arg10 : memref<!tpu.dma_semaphore, #tpu.memory_space<semaphore_mem>>) src(%dma_wait3A_890 : memref<100000x128xf32, #tpu.memory_space<hbm>>) dst(%dma_wait3A_884 : memref<128x128xf32, #tpu.memory_space<vmem>>)
      %add3A_891 = arith.addi %mul3A_2, %add3A_846 : i32
      %mul3A_892 = arith.constant 128 : i32
      %mul3A_893 = arith.muli %add3A_891, %mul3A_892 : i32
      %dma_start3A_894 = arith.constant 3 : i32
      %dma_start3A_895 = arith.constant 0 : i32
      %dma_start3A_896 = arith.constant 0 : i32
      %dma_start3A_897 = tpu.memref_slice %arg6[%dma_start3A_894, %dma_start3A_895, %dma_start3A_896] : memref<7x128x128xf32, #tpu.memory_space<vmem>> -> memref<1x128x128xf32, #tpu.memory_space<vmem>>
      %dma_start3A_898 = tpu.memref_squeeze %dma_start3A_897 : memref<1x128x128xf32, #tpu.memory_space<vmem>> -> memref<128x128xf32, #tpu.memory_space<vmem>>
      %dma_start3A_899 = arith.constant 0 : i32
      %dma_start3A_900 = tpu.memref_slice %arg4[%mul3A_893, %dma_start3A_899] : memref<204800x128xf32, #tpu.memory_space<hbm>> -> memref<128x128xf32, #tpu.memory_space<hbm>>
      %dma_start3A_901 = arith.constant 0 : i32
      %dma_start3A_902 = tpu.memref_slice %arg4[%mul3A_893, %dma_start3A_901] : memref<204800x128xf32, #tpu.memory_space<hbm>> -> memref<128x128xf32, #tpu.memory_space<hbm>>
      %dma_start3A_903 = arith.constant 0 : i32
      %dma_start3A_904 = arith.constant 0 : i32
      %dma_start3A_905 = tpu.memref_slice %arg6[%dma_start3A_894, %dma_start3A_903, %dma_start3A_904] : memref<7x128x128xf32, #tpu.memory_space<vmem>> -> memref<1x128x128xf32, #tpu.memory_space<vmem>>
      %dma_start3A_906 = tpu.memref_squeeze %dma_start3A_905 : memref<1x128x128xf32, #tpu.memory_space<vmem>> -> memref<128x128xf32, #tpu.memory_space<vmem>>
      tpu.enqueue_dma source(%dma_start3A_906 : memref<128x128xf32, #tpu.memory_space<vmem>>) target(%dma_start3A_902 : memref<128x128xf32, #tpu.memory_space<hbm>>) target_semaphore(%arg17 : memref<!tpu.dma_semaphore, #tpu.memory_space<semaphore_mem>>)
    }
    %scan3A_233 = arith.constant 6 : i32
    %dma_wait3A_234 = arith.constant 46 : i32
    %dma_wait3A_235 = arith.constant 4 : i32
    %dma_wait3A_236 = arith.constant 0 : i32
    %dma_wait3A_237 = arith.constant 0 : i32
    %dma_wait3A_238 = tpu.memref_slice %arg6[%dma_wait3A_235, %dma_wait3A_236, %dma_wait3A_237] : memref<7x128x128xf32, #tpu.memory_space<vmem>> -> memref<1x128x128xf32, #tpu.memory_space<vmem>>
    %dma_wait3A_239 = tpu.memref_squeeze %dma_wait3A_238 : memref<1x128x128xf32, #tpu.memory_space<vmem>> -> memref<128x128xf32, #tpu.memory_space<vmem>>
    %dma_wait3A_240 = arith.constant 0 : i32
    %dma_wait3A_241 = tpu.memref_slice %arg5[%dma_wait3A_234, %dma_wait3A_240] : memref<50x128xi32, #tpu.memory_space<vmem>> -> memref<1x128xi32, #tpu.memory_space<vmem>>
    %dma_wait3A_242 = tpu.memref_squeeze %dma_wait3A_241 : memref<1x128xi32, #tpu.memory_space<vmem>> -> memref<128xi32, #tpu.memory_space<vmem>>
    %dma_wait3A_243 = arith.constant 0 : i32
    %dma_wait3A_244 = arith.constant 0 : i32
    %dma_wait3A_245 = tpu.memref_slice %arg3[%dma_wait3A_243, %dma_wait3A_244] : memref<100000x128xf32, #tpu.memory_space<hbm>> -> memref<100000x128xf32, #tpu.memory_space<hbm>>
    tpu.wait_indirect_dma semaphore(%arg11 : memref<!tpu.dma_semaphore, #tpu.memory_space<semaphore_mem>>) src(%dma_wait3A_245 : memref<100000x128xf32, #tpu.memory_space<hbm>>) dst(%dma_wait3A_239 : memref<128x128xf32, #tpu.memory_space<vmem>>)
    %add3A_246 = arith.constant 46 : i32
    %add3A_247 = arith.addi %mul3A_2, %add3A_246 : i32
    %mul3A_248 = arith.constant 128 : i32
    %mul3A_249 = arith.muli %add3A_247, %mul3A_248 : i32
    %dma_start3A_250 = arith.constant 4 : i32
    %dma_start3A_251 = arith.constant 0 : i32
    %dma_start3A_252 = arith.constant 0 : i32
    %dma_start3A_253 = tpu.memref_slice %arg6[%dma_start3A_250, %dma_start3A_251, %dma_start3A_252] : memref<7x128x128xf32, #tpu.memory_space<vmem>> -> memref<1x128x128xf32, #tpu.memory_space<vmem>>
    %dma_start3A_254 = tpu.memref_squeeze %dma_start3A_253 : memref<1x128x128xf32, #tpu.memory_space<vmem>> -> memref<128x128xf32, #tpu.memory_space<vmem>>
    %dma_start3A_255 = arith.constant 0 : i32
    %dma_start3A_256 = tpu.memref_slice %arg4[%mul3A_249, %dma_start3A_255] : memref<204800x128xf32, #tpu.memory_space<hbm>> -> memref<128x128xf32, #tpu.memory_space<hbm>>
    %dma_start3A_257 = arith.constant 0 : i32
    %dma_start3A_258 = tpu.memref_slice %arg4[%mul3A_249, %dma_start3A_257] : memref<204800x128xf32, #tpu.memory_space<hbm>> -> memref<128x128xf32, #tpu.memory_space<hbm>>
    %dma_start3A_259 = arith.constant 0 : i32
    %dma_start3A_260 = arith.constant 0 : i32
    %dma_start3A_261 = tpu.memref_slice %arg6[%dma_start3A_250, %dma_start3A_259, %dma_start3A_260] : memref<7x128x128xf32, #tpu.memory_space<vmem>> -> memref<1x128x128xf32, #tpu.memory_space<vmem>>
    %dma_start3A_262 = tpu.memref_squeeze %dma_start3A_261 : memref<1x128x128xf32, #tpu.memory_space<vmem>> -> memref<128x128xf32, #tpu.memory_space<vmem>>
    tpu.enqueue_dma source(%dma_start3A_262 : memref<128x128xf32, #tpu.memory_space<vmem>>) target(%dma_start3A_258 : memref<128x128xf32, #tpu.memory_space<hbm>>) target_semaphore(%arg18 : memref<!tpu.dma_semaphore, #tpu.memory_space<semaphore_mem>>)
    %dma_wait3A_263 = arith.constant 47 : i32
    %dma_wait3A_264 = arith.constant 5 : i32
    %dma_wait3A_265 = arith.constant 0 : i32
    %dma_wait3A_266 = arith.constant 0 : i32
    %dma_wait3A_267 = tpu.memref_slice %arg6[%dma_wait3A_264, %dma_wait3A_265, %dma_wait3A_266] : memref<7x128x128xf32, #tpu.memory_space<vmem>> -> memref<1x128x128xf32, #tpu.memory_space<vmem>>
    %dma_wait3A_268 = tpu.memref_squeeze %dma_wait3A_267 : memref<1x128x128xf32, #tpu.memory_space<vmem>> -> memref<128x128xf32, #tpu.memory_space<vmem>>
    %dma_wait3A_269 = arith.constant 0 : i32
    %dma_wait3A_270 = tpu.memref_slice %arg5[%dma_wait3A_263, %dma_wait3A_269] : memref<50x128xi32, #tpu.memory_space<vmem>> -> memref<1x128xi32, #tpu.memory_space<vmem>>
    %dma_wait3A_271 = tpu.memref_squeeze %dma_wait3A_270 : memref<1x128xi32, #tpu.memory_space<vmem>> -> memref<128xi32, #tpu.memory_space<vmem>>
    %dma_wait3A_272 = arith.constant 0 : i32
    %dma_wait3A_273 = arith.constant 0 : i32
    %dma_wait3A_274 = tpu.memref_slice %arg3[%dma_wait3A_272, %dma_wait3A_273] : memref<100000x128xf32, #tpu.memory_space<hbm>> -> memref<100000x128xf32, #tpu.memory_space<hbm>>
    tpu.wait_indirect_dma semaphore(%arg12 : memref<!tpu.dma_semaphore, #tpu.memory_space<semaphore_mem>>) src(%dma_wait3A_274 : memref<100000x128xf32, #tpu.memory_space<hbm>>) dst(%dma_wait3A_268 : memref<128x128xf32, #tpu.memory_space<vmem>>)
    %add3A_275 = arith.constant 47 : i32
    %add3A_276 = arith.addi %mul3A_2, %add3A_275 : i32
    %mul3A_277 = arith.constant 128 : i32
    %mul3A_278 = arith.muli %add3A_276, %mul3A_277 : i32
    %dma_start3A_279 = arith.constant 5 : i32
    %dma_start3A_280 = arith.constant 0 : i32
    %dma_start3A_281 = arith.constant 0 : i32
    %dma_start3A_282 = tpu.memref_slice %arg6[%dma_start3A_279, %dma_start3A_280, %dma_start3A_281] : memref<7x128x128xf32, #tpu.memory_space<vmem>> -> memref<1x128x128xf32, #tpu.memory_space<vmem>>
    %dma_start3A_283 = tpu.memref_squeeze %dma_start3A_282 : memref<1x128x128xf32, #tpu.memory_space<vmem>> -> memref<128x128xf32, #tpu.memory_space<vmem>>
    %dma_start3A_284 = arith.constant 0 : i32
    %dma_start3A_285 = tpu.memref_slice %arg4[%mul3A_278, %dma_start3A_284] : memref<204800x128xf32, #tpu.memory_space<hbm>> -> memref<128x128xf32, #tpu.memory_space<hbm>>
    %dma_start3A_286 = arith.constant 0 : i32
    %dma_start3A_287 = tpu.memref_slice %arg4[%mul3A_278, %dma_start3A_286] : memref<204800x128xf32, #tpu.memory_space<hbm>> -> memref<128x128xf32, #tpu.memory_space<hbm>>
    %dma_start3A_288 = arith.constant 0 : i32
    %dma_start3A_289 = arith.constant 0 : i32
    %dma_start3A_290 = tpu.memref_slice %arg6[%dma_start3A_279, %dma_start3A_288, %dma_start3A_289] : memref<7x128x128xf32, #tpu.memory_space<vmem>> -> memref<1x128x128xf32, #tpu.memory_space<vmem>>
    %dma_start3A_291 = tpu.memref_squeeze %dma_start3A_290 : memref<1x128x128xf32, #tpu.memory_space<vmem>> -> memref<128x128xf32, #tpu.memory_space<vmem>>
    tpu.enqueue_dma source(%dma_start3A_291 : memref<128x128xf32, #tpu.memory_space<vmem>>) target(%dma_start3A_287 : memref<128x128xf32, #tpu.memory_space<hbm>>) target_semaphore(%arg19 : memref<!tpu.dma_semaphore, #tpu.memory_space<semaphore_mem>>)
    %dma_wait3A_292 = arith.constant 48 : i32
    %dma_wait3A_293 = arith.constant 6 : i32
    %dma_wait3A_294 = arith.constant 0 : i32
    %dma_wait3A_295 = arith.constant 0 : i32
    %dma_wait3A_296 = tpu.memref_slice %arg6[%dma_wait3A_293, %dma_wait3A_294, %dma_wait3A_295] : memref<7x128x128xf32, #tpu.memory_space<vmem>> -> memref<1x128x128xf32, #tpu.memory_space<vmem>>
    %dma_wait3A_297 = tpu.memref_squeeze %dma_wait3A_296 : memref<1x128x128xf32, #tpu.memory_space<vmem>> -> memref<128x128xf32, #tpu.memory_space<vmem>>
    %dma_wait3A_298 = arith.constant 0 : i32
    %dma_wait3A_299 = tpu.memref_slice %arg5[%dma_wait3A_292, %dma_wait3A_298] : memref<50x128xi32, #tpu.memory_space<vmem>> -> memref<1x128xi32, #tpu.memory_space<vmem>>
    %dma_wait3A_300 = tpu.memref_squeeze %dma_wait3A_299 : memref<1x128xi32, #tpu.memory_space<vmem>> -> memref<128xi32, #tpu.memory_space<vmem>>
    %dma_wait3A_301 = arith.constant 0 : i32
    %dma_wait3A_302 = arith.constant 0 : i32
    %dma_wait3A_303 = tpu.memref_slice %arg3[%dma_wait3A_301, %dma_wait3A_302] : memref<100000x128xf32, #tpu.memory_space<hbm>> -> memref<100000x128xf32, #tpu.memory_space<hbm>>
    tpu.wait_indirect_dma semaphore(%arg13 : memref<!tpu.dma_semaphore, #tpu.memory_space<semaphore_mem>>) src(%dma_wait3A_303 : memref<100000x128xf32, #tpu.memory_space<hbm>>) dst(%dma_wait3A_297 : memref<128x128xf32, #tpu.memory_space<vmem>>)
    %add3A_304 = arith.constant 48 : i32
    %add3A_305 = arith.addi %mul3A_2, %add3A_304 : i32
    %mul3A_306 = arith.constant 128 : i32
    %mul3A_307 = arith.muli %add3A_305, %mul3A_306 : i32
    %dma_start3A_308 = arith.constant 6 : i32
    %dma_start3A_309 = arith.constant 0 : i32
    %dma_start3A_310 = arith.constant 0 : i32
    %dma_start3A_311 = tpu.memref_slice %arg6[%dma_start3A_308, %dma_start3A_309, %dma_start3A_310] : memref<7x128x128xf32, #tpu.memory_space<vmem>> -> memref<1x128x128xf32, #tpu.memory_space<vmem>>
    %dma_start3A_312 = tpu.memref_squeeze %dma_start3A_311 : memref<1x128x128xf32, #tpu.memory_space<vmem>> -> memref<128x128xf32, #tpu.memory_space<vmem>>
    %dma_start3A_313 = arith.constant 0 : i32
    %dma_start3A_314 = tpu.memref_slice %arg4[%mul3A_307, %dma_start3A_313] : memref<204800x128xf32, #tpu.memory_space<hbm>> -> memref<128x128xf32, #tpu.memory_space<hbm>>
    %dma_start3A_315 = arith.constant 0 : i32
    %dma_start3A_316 = tpu.memref_slice %arg4[%mul3A_307, %dma_start3A_315] : memref<204800x128xf32, #tpu.memory_space<hbm>> -> memref<128x128xf32, #tpu.memory_space<hbm>>
    %dma_start3A_317 = arith.constant 0 : i32
    %dma_start3A_318 = arith.constant 0 : i32
    %dma_start3A_319 = tpu.memref_slice %arg6[%dma_start3A_308, %dma_start3A_317, %dma_start3A_318] : memref<7x128x128xf32, #tpu.memory_space<vmem>> -> memref<1x128x128xf32, #tpu.memory_space<vmem>>
    %dma_start3A_320 = tpu.memref_squeeze %dma_start3A_319 : memref<1x128x128xf32, #tpu.memory_space<vmem>> -> memref<128x128xf32, #tpu.memory_space<vmem>>
    tpu.enqueue_dma source(%dma_start3A_320 : memref<128x128xf32, #tpu.memory_space<vmem>>) target(%dma_start3A_316 : memref<128x128xf32, #tpu.memory_space<hbm>>) target_semaphore(%arg20 : memref<!tpu.dma_semaphore, #tpu.memory_space<semaphore_mem>>)
    %dma_wait3A_321 = arith.constant 49 : i32
    %dma_wait3A_322 = arith.constant 0 : i32
    %dma_wait3A_323 = arith.constant 0 : i32
    %dma_wait3A_324 = arith.constant 0 : i32
    %dma_wait3A_325 = tpu.memref_slice %arg6[%dma_wait3A_322, %dma_wait3A_323, %dma_wait3A_324] : memref<7x128x128xf32, #tpu.memory_space<vmem>> -> memref<1x128x128xf32, #tpu.memory_space<vmem>>
    %dma_wait3A_326 = tpu.memref_squeeze %dma_wait3A_325 : memref<1x128x128xf32, #tpu.memory_space<vmem>> -> memref<128x128xf32, #tpu.memory_space<vmem>>
    %dma_wait3A_327 = arith.constant 0 : i32
    %dma_wait3A_328 = tpu.memref_slice %arg5[%dma_wait3A_321, %dma_wait3A_327] : memref<50x128xi32, #tpu.memory_space<vmem>> -> memref<1x128xi32, #tpu.memory_space<vmem>>
    %dma_wait3A_329 = tpu.memref_squeeze %dma_wait3A_328 : memref<1x128xi32, #tpu.memory_space<vmem>> -> memref<128xi32, #tpu.memory_space<vmem>>
    %dma_wait3A_330 = arith.constant 0 : i32
    %dma_wait3A_331 = arith.constant 0 : i32
    %dma_wait3A_332 = tpu.memref_slice %arg3[%dma_wait3A_330, %dma_wait3A_331] : memref<100000x128xf32, #tpu.memory_space<hbm>> -> memref<100000x128xf32, #tpu.memory_space<hbm>>
    tpu.wait_indirect_dma semaphore(%arg7 : memref<!tpu.dma_semaphore, #tpu.memory_space<semaphore_mem>>) src(%dma_wait3A_332 : memref<100000x128xf32, #tpu.memory_space<hbm>>) dst(%dma_wait3A_326 : memref<128x128xf32, #tpu.memory_space<vmem>>)
    %add3A_333 = arith.constant 49 : i32
    %add3A_334 = arith.addi %mul3A_2, %add3A_333 : i32
    %mul3A_335 = arith.constant 128 : i32
    %mul3A_336 = arith.muli %add3A_334, %mul3A_335 : i32
    %dma_start3A_337 = arith.constant 0 : i32
    %dma_start3A_338 = arith.constant 0 : i32
    %dma_start3A_339 = arith.constant 0 : i32
    %dma_start3A_340 = tpu.memref_slice %arg6[%dma_start3A_337, %dma_start3A_338, %dma_start3A_339] : memref<7x128x128xf32, #tpu.memory_space<vmem>> -> memref<1x128x128xf32, #tpu.memory_space<vmem>>
    %dma_start3A_341 = tpu.memref_squeeze %dma_start3A_340 : memref<1x128x128xf32, #tpu.memory_space<vmem>> -> memref<128x128xf32, #tpu.memory_space<vmem>>
    %dma_start3A_342 = arith.constant 0 : i32
    %dma_start3A_343 = tpu.memref_slice %arg4[%mul3A_336, %dma_start3A_342] : memref<204800x128xf32, #tpu.memory_space<hbm>> -> memref<128x128xf32, #tpu.memory_space<hbm>>
    %dma_start3A_344 = arith.constant 0 : i32
    %dma_start3A_345 = tpu.memref_slice %arg4[%mul3A_336, %dma_start3A_344] : memref<204800x128xf32, #tpu.memory_space<hbm>> -> memref<128x128xf32, #tpu.memory_space<hbm>>
    %dma_start3A_346 = arith.constant 0 : i32
    %dma_start3A_347 = arith.constant 0 : i32
    %dma_start3A_348 = tpu.memref_slice %arg6[%dma_start3A_337, %dma_start3A_346, %dma_start3A_347] : memref<7x128x128xf32, #tpu.memory_space<vmem>> -> memref<1x128x128xf32, #tpu.memory_space<vmem>>
    %dma_start3A_349 = tpu.memref_squeeze %dma_start3A_348 : memref<1x128x128xf32, #tpu.memory_space<vmem>> -> memref<128x128xf32, #tpu.memory_space<vmem>>
    tpu.enqueue_dma source(%dma_start3A_349 : memref<128x128xf32, #tpu.memory_space<vmem>>) target(%dma_start3A_345 : memref<128x128xf32, #tpu.memory_space<hbm>>) target_semaphore(%arg14 : memref<!tpu.dma_semaphore, #tpu.memory_space<semaphore_mem>>)
    %add3A_350 = arith.constant 43 : i32
    %add3A_351 = arith.addi %mul3A_2, %add3A_350 : i32
    %mul3A_352 = arith.constant 128 : i32
    %mul3A_353 = arith.muli %add3A_351, %mul3A_352 : i32
    %dma_wait3A_354 = arith.constant 1 : i32
    %dma_wait3A_355 = arith.constant 0 : i32
    %dma_wait3A_356 = arith.constant 0 : i32
    %dma_wait3A_357 = tpu.memref_slice %arg6[%dma_wait3A_354, %dma_wait3A_355, %dma_wait3A_356] : memref<7x128x128xf32, #tpu.memory_space<vmem>> -> memref<1x128x128xf32, #tpu.memory_space<vmem>>
    %dma_wait3A_358 = tpu.memref_squeeze %dma_wait3A_357 : memref<1x128x128xf32, #tpu.memory_space<vmem>> -> memref<128x128xf32, #tpu.memory_space<vmem>>
    %dma_wait3A_359 = arith.constant 0 : i32
    %dma_wait3A_360 = tpu.memref_slice %arg4[%mul3A_353, %dma_wait3A_359] : memref<204800x128xf32, #tpu.memory_space<hbm>> -> memref<128x128xf32, #tpu.memory_space<hbm>>
    %dma_wait3A_361 = arith.constant 0 : i32
    %dma_wait3A_362 = tpu.memref_slice %arg4[%mul3A_353, %dma_wait3A_361] : memref<204800x128xf32, #tpu.memory_space<hbm>> -> memref<128x128xf32, #tpu.memory_space<hbm>>
    %dma_wait3A_363 = arith.constant 0 : i32
    %dma_wait3A_364 = arith.constant 0 : i32
    %dma_wait3A_365 = tpu.memref_slice %arg6[%dma_wait3A_354, %dma_wait3A_363, %dma_wait3A_364] : memref<7x128x128xf32, #tpu.memory_space<vmem>> -> memref<1x128x128xf32, #tpu.memory_space<vmem>>
    %dma_wait3A_366 = tpu.memref_squeeze %dma_wait3A_365 : memref<1x128x128xf32, #tpu.memory_space<vmem>> -> memref<128x128xf32, #tpu.memory_space<vmem>>
    tpu.wait_dma2 semaphore(%arg15 : memref<!tpu.dma_semaphore, #tpu.memory_space<semaphore_mem>>) src(%dma_wait3A_366 : memref<128x128xf32, #tpu.memory_space<vmem>>) dst(%dma_wait3A_362 : memref<128x128xf32, #tpu.memory_space<hbm>>)
    %add3A_367 = arith.constant 44 : i32
    %add3A_368 = arith.addi %mul3A_2, %add3A_367 : i32
    %mul3A_369 = arith.constant 128 : i32
    %mul3A_370 = arith.muli %add3A_368, %mul3A_369 : i32
    %dma_wait3A_371 = arith.constant 2 : i32
    %dma_wait3A_372 = arith.constant 0 : i32
    %dma_wait3A_373 = arith.constant 0 : i32
    %dma_wait3A_374 = tpu.memref_slice %arg6[%dma_wait3A_371, %dma_wait3A_372, %dma_wait3A_373] : memref<7x128x128xf32, #tpu.memory_space<vmem>> -> memref<1x128x128xf32, #tpu.memory_space<vmem>>
    %dma_wait3A_375 = tpu.memref_squeeze %dma_wait3A_374 : memref<1x128x128xf32, #tpu.memory_space<vmem>> -> memref<128x128xf32, #tpu.memory_space<vmem>>
    %dma_wait3A_376 = arith.constant 0 : i32
    %dma_wait3A_377 = tpu.memref_slice %arg4[%mul3A_370, %dma_wait3A_376] : memref<204800x128xf32, #tpu.memory_space<hbm>> -> memref<128x128xf32, #tpu.memory_space<hbm>>
    %dma_wait3A_378 = arith.constant 0 : i32
    %dma_wait3A_379 = tpu.memref_slice %arg4[%mul3A_370, %dma_wait3A_378] : memref<204800x128xf32, #tpu.memory_space<hbm>> -> memref<128x128xf32, #tpu.memory_space<hbm>>
    %dma_wait3A_380 = arith.constant 0 : i32
    %dma_wait3A_381 = arith.constant 0 : i32
    %dma_wait3A_382 = tpu.memref_slice %arg6[%dma_wait3A_371, %dma_wait3A_380, %dma_wait3A_381] : memref<7x128x128xf32, #tpu.memory_space<vmem>> -> memref<1x128x128xf32, #tpu.memory_space<vmem>>
    %dma_wait3A_383 = tpu.memref_squeeze %dma_wait3A_382 : memref<1x128x128xf32, #tpu.memory_space<vmem>> -> memref<128x128xf32, #tpu.memory_space<vmem>>
    tpu.wait_dma2 semaphore(%arg16 : memref<!tpu.dma_semaphore, #tpu.memory_space<semaphore_mem>>) src(%dma_wait3A_383 : memref<128x128xf32, #tpu.memory_space<vmem>>) dst(%dma_wait3A_379 : memref<128x128xf32, #tpu.memory_space<hbm>>)
    %add3A_384 = arith.constant 45 : i32
    %add3A_385 = arith.addi %mul3A_2, %add3A_384 : i32
    %mul3A_386 = arith.constant 128 : i32
    %mul3A_387 = arith.muli %add3A_385, %mul3A_386 : i32
    %dma_wait3A_388 = arith.constant 3 : i32
    %dma_wait3A_389 = arith.constant 0 : i32
    %dma_wait3A_390 = arith.constant 0 : i32
    %dma_wait3A_391 = tpu.memref_slice %arg6[%dma_wait3A_388, %dma_wait3A_389, %dma_wait3A_390] : memref<7x128x128xf32, #tpu.memory_space<vmem>> -> memref<1x128x128xf32, #tpu.memory_space<vmem>>
    %dma_wait3A_392 = tpu.memref_squeeze %dma_wait3A_391 : memref<1x128x128xf32, #tpu.memory_space<vmem>> -> memref<128x128xf32, #tpu.memory_space<vmem>>
    %dma_wait3A_393 = arith.constant 0 : i32
    %dma_wait3A_394 = tpu.memref_slice %arg4[%mul3A_387, %dma_wait3A_393] : memref<204800x128xf32, #tpu.memory_space<hbm>> -> memref<128x128xf32, #tpu.memory_space<hbm>>
    %dma_wait3A_395 = arith.constant 0 : i32
    %dma_wait3A_396 = tpu.memref_slice %arg4[%mul3A_387, %dma_wait3A_395] : memref<204800x128xf32, #tpu.memory_space<hbm>> -> memref<128x128xf32, #tpu.memory_space<hbm>>
    %dma_wait3A_397 = arith.constant 0 : i32
    %dma_wait3A_398 = arith.constant 0 : i32
    %dma_wait3A_399 = tpu.memref_slice %arg6[%dma_wait3A_388, %dma_wait3A_397, %dma_wait3A_398] : memref<7x128x128xf32, #tpu.memory_space<vmem>> -> memref<1x128x128xf32, #tpu.memory_space<vmem>>
    %dma_wait3A_400 = tpu.memref_squeeze %dma_wait3A_399 : memref<1x128x128xf32, #tpu.memory_space<vmem>> -> memref<128x128xf32, #tpu.memory_space<vmem>>
    tpu.wait_dma2 semaphore(%arg17 : memref<!tpu.dma_semaphore, #tpu.memory_space<semaphore_mem>>) src(%dma_wait3A_400 : memref<128x128xf32, #tpu.memory_space<vmem>>) dst(%dma_wait3A_396 : memref<128x128xf32, #tpu.memory_space<hbm>>)
    %add3A_401 = arith.constant 46 : i32
    %add3A_402 = arith.addi %mul3A_2, %add3A_401 : i32
    %mul3A_403 = arith.constant 128 : i32
    %mul3A_404 = arith.muli %add3A_402, %mul3A_403 : i32
    %dma_wait3A_405 = arith.constant 4 : i32
    %dma_wait3A_406 = arith.constant 0 : i32
    %dma_wait3A_407 = arith.constant 0 : i32
    %dma_wait3A_408 = tpu.memref_slice %arg6[%dma_wait3A_405, %dma_wait3A_406, %dma_wait3A_407] : memref<7x128x128xf32, #tpu.memory_space<vmem>> -> memref<1x128x128xf32, #tpu.memory_space<vmem>>
    %dma_wait3A_409 = tpu.memref_squeeze %dma_wait3A_408 : memref<1x128x128xf32, #tpu.memory_space<vmem>> -> memref<128x128xf32, #tpu.memory_space<vmem>>
    %dma_wait3A_410 = arith.constant 0 : i32
    %dma_wait3A_411 = tpu.memref_slice %arg4[%mul3A_404, %dma_wait3A_410] : memref<204800x128xf32, #tpu.memory_space<hbm>> -> memref<128x128xf32, #tpu.memory_space<hbm>>
    %dma_wait3A_412 = arith.constant 0 : i32
    %dma_wait3A_413 = tpu.memref_slice %arg4[%mul3A_404, %dma_wait3A_412] : memref<204800x128xf32, #tpu.memory_space<hbm>> -> memref<128x128xf32, #tpu.memory_space<hbm>>
    %dma_wait3A_414 = arith.constant 0 : i32
    %dma_wait3A_415 = arith.constant 0 : i32
    %dma_wait3A_416 = tpu.memref_slice %arg6[%dma_wait3A_405, %dma_wait3A_414, %dma_wait3A_415] : memref<7x128x128xf32, #tpu.memory_space<vmem>> -> memref<1x128x128xf32, #tpu.memory_space<vmem>>
    %dma_wait3A_417 = tpu.memref_squeeze %dma_wait3A_416 : memref<1x128x128xf32, #tpu.memory_space<vmem>> -> memref<128x128xf32, #tpu.memory_space<vmem>>
    tpu.wait_dma2 semaphore(%arg18 : memref<!tpu.dma_semaphore, #tpu.memory_space<semaphore_mem>>) src(%dma_wait3A_417 : memref<128x128xf32, #tpu.memory_space<vmem>>) dst(%dma_wait3A_413 : memref<128x128xf32, #tpu.memory_space<hbm>>)
    %add3A_418 = arith.constant 47 : i32
    %add3A_419 = arith.addi %mul3A_2, %add3A_418 : i32
    %mul3A_420 = arith.constant 128 : i32
    %mul3A_421 = arith.muli %add3A_419, %mul3A_420 : i32
    %dma_wait3A_422 = arith.constant 5 : i32
    %dma_wait3A_423 = arith.constant 0 : i32
    %dma_wait3A_424 = arith.constant 0 : i32
    %dma_wait3A_425 = tpu.memref_slice %arg6[%dma_wait3A_422, %dma_wait3A_423, %dma_wait3A_424] : memref<7x128x128xf32, #tpu.memory_space<vmem>> -> memref<1x128x128xf32, #tpu.memory_space<vmem>>
    %dma_wait3A_426 = tpu.memref_squeeze %dma_wait3A_425 : memref<1x128x128xf32, #tpu.memory_space<vmem>> -> memref<128x128xf32, #tpu.memory_space<vmem>>
    %dma_wait3A_427 = arith.constant 0 : i32
    %dma_wait3A_428 = tpu.memref_slice %arg4[%mul3A_421, %dma_wait3A_427] : memref<204800x128xf32, #tpu.memory_space<hbm>> -> memref<128x128xf32, #tpu.memory_space<hbm>>
    %dma_wait3A_429 = arith.constant 0 : i32
    %dma_wait3A_430 = tpu.memref_slice %arg4[%mul3A_421, %dma_wait3A_429] : memref<204800x128xf32, #tpu.memory_space<hbm>> -> memref<128x128xf32, #tpu.memory_space<hbm>>
    %dma_wait3A_431 = arith.constant 0 : i32
    %dma_wait3A_432 = arith.constant 0 : i32
    %dma_wait3A_433 = tpu.memref_slice %arg6[%dma_wait3A_422, %dma_wait3A_431, %dma_wait3A_432] : memref<7x128x128xf32, #tpu.memory_space<vmem>> -> memref<1x128x128xf32, #tpu.memory_space<vmem>>
    %dma_wait3A_434 = tpu.memref_squeeze %dma_wait3A_433 : memref<1x128x128xf32, #tpu.memory_space<vmem>> -> memref<128x128xf32, #tpu.memory_space<vmem>>
    tpu.wait_dma2 semaphore(%arg19 : memref<!tpu.dma_semaphore, #tpu.memory_space<semaphore_mem>>) src(%dma_wait3A_434 : memref<128x128xf32, #tpu.memory_space<vmem>>) dst(%dma_wait3A_430 : memref<128x128xf32, #tpu.memory_space<hbm>>)
    %add3A_435 = arith.constant 48 : i32
    %add3A_436 = arith.addi %mul3A_2, %add3A_435 : i32
    %mul3A_437 = arith.constant 128 : i32
    %mul3A_438 = arith.muli %add3A_436, %mul3A_437 : i32
    %dma_wait3A_439 = arith.constant 6 : i32
    %dma_wait3A_440 = arith.constant 0 : i32
    %dma_wait3A_441 = arith.constant 0 : i32
    %dma_wait3A_442 = tpu.memref_slice %arg6[%dma_wait3A_439, %dma_wait3A_440, %dma_wait3A_441] : memref<7x128x128xf32, #tpu.memory_space<vmem>> -> memref<1x128x128xf32, #tpu.memory_space<vmem>>
    %dma_wait3A_443 = tpu.memref_squeeze %dma_wait3A_442 : memref<1x128x128xf32, #tpu.memory_space<vmem>> -> memref<128x128xf32, #tpu.memory_space<vmem>>
    %dma_wait3A_444 = arith.constant 0 : i32
    %dma_wait3A_445 = tpu.memref_slice %arg4[%mul3A_438, %dma_wait3A_444] : memref<204800x128xf32, #tpu.memory_space<hbm>> -> memref<128x128xf32, #tpu.memory_space<hbm>>
    %dma_wait3A_446 = arith.constant 0 : i32
    %dma_wait3A_447 = tpu.memref_slice %arg4[%mul3A_438, %dma_wait3A_446] : memref<204800x128xf32, #tpu.memory_space<hbm>> -> memref<128x128xf32, #tpu.memory_space<hbm>>
    %dma_wait3A_448 = arith.constant 0 : i32
    %dma_wait3A_449 = arith.constant 0 : i32
    %dma_wait3A_450 = tpu.memref_slice %arg6[%dma_wait3A_439, %dma_wait3A_448, %dma_wait3A_449] : memref<7x128x128xf32, #tpu.memory_space<vmem>> -> memref<1x128x128xf32, #tpu.memory_space<vmem>>
    %dma_wait3A_451 = tpu.memref_squeeze %dma_wait3A_450 : memref<1x128x128xf32, #tpu.memory_space<vmem>> -> memref<128x128xf32, #tpu.memory_space<vmem>>
    tpu.wait_dma2 semaphore(%arg20 : memref<!tpu.dma_semaphore, #tpu.memory_space<semaphore_mem>>) src(%dma_wait3A_451 : memref<128x128xf32, #tpu.memory_space<vmem>>) dst(%dma_wait3A_447 : memref<128x128xf32, #tpu.memory_space<hbm>>)
    %add3A_452 = arith.constant 49 : i32
    %add3A_453 = arith.addi %mul3A_2, %add3A_452 : i32
    %mul3A_454 = arith.constant 128 : i32
    %mul3A_455 = arith.muli %add3A_453, %mul3A_454 : i32
    %dma_wait3A_456 = arith.constant 0 : i32
    %dma_wait3A_457 = arith.constant 0 : i32
    %dma_wait3A_458 = arith.constant 0 : i32
    %dma_wait3A_459 = tpu.memref_slice %arg6[%dma_wait3A_456, %dma_wait3A_457, %dma_wait3A_458] : memref<7x128x128xf32, #tpu.memory_space<vmem>> -> memref<1x128x128xf32, #tpu.memory_space<vmem>>
    %dma_wait3A_460 = tpu.memref_squeeze %dma_wait3A_459 : memref<1x128x128xf32, #tpu.memory_space<vmem>> -> memref<128x128xf32, #tpu.memory_space<vmem>>
    %dma_wait3A_461 = arith.constant 0 : i32
    %dma_wait3A_462 = tpu.memref_slice %arg4[%mul3A_455, %dma_wait3A_461] : memref<204800x128xf32, #tpu.memory_space<hbm>> -> memref<128x128xf32, #tpu.memory_space<hbm>>
    %dma_wait3A_463 = arith.constant 0 : i32
    %dma_wait3A_464 = tpu.memref_slice %arg4[%mul3A_455, %dma_wait3A_463] : memref<204800x128xf32, #tpu.memory_space<hbm>> -> memref<128x128xf32, #tpu.memory_space<hbm>>
    %dma_wait3A_465 = arith.constant 0 : i32
    %dma_wait3A_466 = arith.constant 0 : i32
    %dma_wait3A_467 = tpu.memref_slice %arg6[%dma_wait3A_456, %dma_wait3A_465, %dma_wait3A_466] : memref<7x128x128xf32, #tpu.memory_space<vmem>> -> memref<1x128x128xf32, #tpu.memory_space<vmem>>
    %dma_wait3A_468 = tpu.memref_squeeze %dma_wait3A_467 : memref<1x128x128xf32, #tpu.memory_space<vmem>> -> memref<128x128xf32, #tpu.memory_space<vmem>>
    tpu.wait_dma2 semaphore(%arg14 : memref<!tpu.dma_semaphore, #tpu.memory_space<semaphore_mem>>) src(%dma_wait3A_468 : memref<128x128xf32, #tpu.memory_space<vmem>>) dst(%dma_wait3A_464 : memref<128x128xf32, #tpu.memory_space<hbm>>)
    return
  }
}

</mosaic_0001>

<sc_bundles>
// kernel: kernel.3.cloned.1.call-start
scs
__scs_entry_jumppad:
0x0: {  	(pc) =	sbr.rel $0x88, $3  }
0x1: {  	(tag) =	ssettag $0x0;
	lr =	simm.s32 $0x1  }
0x2: {  	[smem:$0x3F9F] =	sst lr;
	_ =	strace $0xD0000000  }
0x3: {  	_ = 	snop  }
0x4: {  	_ = 	snop  }
0x5: {  	_ = 	snop  }
0x6: {  	_ = 	snop  }
0x7: {  	_ = 	snop  }
__scs_overlays_trampoline_lowered:
0x8: {  	[smem:$0x3FAE] =	sst s0  }
0x9: {  	[smem:$0x3FAF] =	sst s1  }
0xa: {  	[smem:$0x3FB0] =	sst s2  }
0xb: {  	[smem:$0x3FB1] =	sst s3  }
0xc: {  	[smem:$0x3FB2] =	sst s4  }
0xd: {  	[smem:$0x3FB3] =	sst s5  }
0xe: {  	[smem:$0x3FB4] =	sst s6  }
0xf: {  	[smem:$0x3FB5] =	sst s7  }
0x10: {  	[smem:$0x3FB6] =	sst s8  }
0x11: {  	[smem:$0x3FB7] =	sst s9;
	s0 =	simm.s32 @!p0 $0x0  }
0x12: {  	s1 =	sld [smem:$0x3F9D];
	s0 =	simm.s32 @p0 $0x1  }
0x13: {  	[smem:$0x3FB8] =	sst s0;
	s0 =	simm.s32 @!p1 $0x0  }
0x14: {  	s2 =	sld [smem:$0x3F9C];
	s0 =	simm.s32 @p1 $0x1  }
0x15: {  	[smem:$0x3FB9] =	sst s0;
	s0 =	simm.s32 @!p2 $0x0  }
0x16: {  	s3 =	sld [smem:$0x3FDB];
	s0 =	simm.s32 @p2 $0x1  }
0x17: {  	s4 =	simm.s32 $0x1BF5;
	[smem:$0x3FBB] =	sst s0  }
0x18: {  	s0 =	sld [smem:$0x3F9E];
	_ =	swait.ge [sflag:s4], $0x0  }
0x19: {  	s7 =	sld [smem:$0x3F9F]  }
0x1a: {  	s8 =	sadd.s32 $0xFFFFE003, lr  }
0x1b: {  	s9 =	sadd.s32 $0xFFFFFEF7, lr;
	s5 =	simm.s32 $0xFFFFFFFF;
	p2 =	slt.u32 s8, $0xFFFFF086  }
0x1c: {  	p1 =	slt.u32 s9, $0xF7A;
	s5 =	simm.s32 @!p2 $0x0  }
0x1d: {  	s5 =	simm.s32 @p1 $0x1;
	p0 =	seq.s32 s7, s2  }
0x1e: {  	s7 =	smul.u32 @!p0 $0xF7A, s2;
	p2 =	seq.s32 @!p0 s5, $0x0  }
0x1f: {  	s9 =	smul.u32 $0xF7A, s1;
	s8 =	simm.s32 @!p0 $0x1BF5;
	p2 =	por !p2, p0  }
0x20: {  	[sflag:s8] =	ssyncset.s32 @!p0 $0xFFFFF086;
	s6 =	sadd.s32 @!p0 s3, s7;
	s7 =	simm.s32 @!p0 $0x108  }
0x21: {  	s3 =	sadd.s32 s3, s9;
	s6 =	sadd.s32 @!p0 $0x88, s6;
	s7 =	simm.s32 @p2 $0x1082  }
0x22: {  	[simem:s7], [sflag:s8] =	dma.local @!p0 [hbm:s6], $0xF7A  }
0x23: {  	s9 =	sor.u32 $0xD0000000, s2;
	s6 =	simm.s32 $0x108;
	_ =	swait.ge @!p0 [sflag:s8], $0x0  }
0x24: {  	s3 =	sadd.s32 $0x88, s3;
	s6 =	simm.s32 @!p1 $0x1082;
	[sflag:s4] =	ssyncset.s32 $0xFFFFF086  }
0x25: {  	[simem:s6], [sflag:s4] =	dma.local [hbm:s3], $0xF7A  }
0x26: {  	[smem:$0x3F9F] =	sst s1;
	(tag) =	ssettag s2;
	_ =	strace s9  }
0x27: {  	s1 =	sld [smem:$0x3FAF]  }
0x28: {  	s2 =	sld [smem:$0x3FB0]  }
0x29: {  	s4 =	sld [smem:$0x3FB2]  }
0x2a: {  	p0 =	seq.s32 s5, $0x0;
	s5 =	sld [smem:$0x3FB3]  }
0x2b: {  	s6 =	sld [smem:$0x3FB4]  }
0x2c: {  	s7 =	sld [smem:$0x3FB5]  }
0x2d: {  	s3 =	simm.s32 $0x108;
	s8 =	sld [smem:$0x3FB6]  }
0x2e: {  	s3 =	simm.s32 @!p0 $0x1082;
	s9 =	sld [smem:$0x3FB7]  }
0x2f: {  	lr =	sadd.s32 s0, s3;
	s0 =	sld [smem:$0x3FAE]  }
0x30: {  	s3 =	sld [smem:$0x3FB1]  }
0x31: {  	[smem:$0x3FBA] =	sst s10  }
0x32: {  	s10 =	sld [smem:$0x3FB8];
	_ =	sdelay $0x3  }
0x33: {  	p0 =	seq.s32 s10, $0x1;
	s10 =	sld [smem:$0x3FBA];
	_ =	sdelay $0x3  }
0x34: {  	[smem:$0x3FBA] =	sst s10  }
0x35: {  	s10 =	sld [smem:$0x3FB9];
	_ =	sdelay $0x3  }
0x36: {  	p1 =	seq.s32 s10, $0x1;
	s10 =	sld [smem:$0x3FBA];
	_ =	sdelay $0x3  }
0x37: {  	[smem:$0x3FBA] =	sst s10  }
0x38: {  	s10 =	sld [smem:$0x3FBB]  }
0x39: {  	_ = 	snop;
	(pc) =	sbr.ind lr, $3  }
0x3a: {  	_ = 	snop  }
0x3b: {  	_ = 	snop  }
0x3c: {  	p2 =	seq.s32 s10, $0x1;
	s10 =	sld [smem:$0x3FBA]  }
0x3d: {  	_ =	shalt  }
0x3e: {  	_ =	shalt  }
0x3f: {  	_ =	shalt  }
0x40: {  	_ =	shalt  }
0x41: {  	_ =	shalt  }
0x42: {  	_ =	shalt  }
0x43: {  	_ =	shalt  }
0x44: {  	_ =	shalt  }
0x45: {  	_ =	shalt  }
0x46: {  	_ =	shalt  }
0x47: {  	_ =	shalt  }
0x48: {  	_ =	shalt  }
0x49: {  	_ =	shalt  }
0x4a: {  	_ =	shalt  }
0x4b: {  	_ =	shalt  }
0x4c: {  	_ =	shalt  }
0x4d: {  	_ =	shalt  }
0x4e: {  	_ =	shalt  }
0x4f: {  	_ =	shalt  }
0x50: {  	_ =	shalt  }
0x51: {  	_ =	shalt  }
0x52: {  	_ =	shalt  }
0x53: {  	_ =	shalt  }
0x54: {  	_ =	shalt  }
0x55: {  	_ =	shalt  }
0x56: {  	_ =	shalt  }
0x57: {  	_ =	shalt  }
0x58: {  	_ =	shalt  }
0x59: {  	_ =	shalt  }
0x5a: {  	_ =	shalt  }
0x5b: {  	_ =	shalt  }
0x5c: {  	_ =	shalt  }
0x5d: {  	_ =	shalt  }
0x5e: {  	_ =	shalt  }
0x5f: {  	_ =	shalt  }
0x60: {  	_ =	shalt  }
0x61: {  	_ =	shalt  }
0x62: {  	_ =	shalt  }
0x63: {  	_ =	shalt  }
0x64: {  	_ =	shalt  }
0x65: {  	_ =	shalt  }
0x66: {  	_ =	shalt  }
0x67: {  	_ =	shalt  }
0x68: {  	_ =	shalt  }
0x69: {  	_ =	shalt  }
0x6a: {  	_ =	shalt  }
0x6b: {  	_ =	shalt  }
0x6c: {  	_ =	shalt  }
0x6d: {  	_ =	shalt  }
0x6e: {  	_ =	shalt  }
0x6f: {  	_ =	shalt  }
0x70: {  	_ =	shalt  }
0x71: {  	_ =	shalt  }
0x72: {  	_ =	shalt  }
0x73: {  	_ =	shalt  }
0x74: {  	_ =	shalt  }
0x75: {  	_ =	shalt  }
0x76: {  	_ =	shalt  }
0x77: {  	_ =	shalt  }
0x78: {  	_ =	shalt  }
0x79: {  	_ =	shalt  }
0x7a: {  	_ =	shalt  }
0x7b: {  	_ =	shalt  }
0x7c: {  	_ =	shalt  }
0x7d: {  	_ =	shalt  }
0x7e: {  	_ =	shalt  }
0x7f: {  	_ =	shalt  }
0x80: {  	_ =	shalt  }
0x81: {  	_ =	shalt  }
0x82: {  	_ =	shalt  }
0x83: {  	_ =	shalt  }
0x84: {  	_ =	shalt  }
0x85: {  	_ =	shalt  }
0x86: {  	_ =	shalt  }
0x87: {  	_ =	shalt  }
.Lfunc_end0:
.L_simem_size_0:
called_computation_lowered:
.L_overlay_start_0:
0x88: {  	s2 =	sld [smem:$0x3FD9]  }
0x89: {  	s3 =	sld [smem:$0x3FFE];
	_ =	sdelay $0x1  }
0x8a: {  	s1 =	srdreg.scid  }
0x8b: {  	s0 =	sand.u32 $0x1, s1  }
0x8c: {  	s17 =	sshll.u32 s0, $0xA;
	s2 =	sadd.s32 s3, s2  }
0x8d: {  	s2 =	sadd.s32 s2, s17  }
0x8e: {  	[smem:$0x3FC6] =	sst s2  }
0x8f: {  	_ = 	snop  }
0x90: {  	s2 =	sld [smem:$0x3FC8]  }
0x91: {  	s18 =	sld [smem:$0x3FD0];
	(tm) =	ssettm $0x1  }
0x92: {  	s4 =	sld [smem:$0x3FFB];
	_ =	sdelay $0x3  }
0x93: {  	_ =	strace s4  }
0x94: {  	s4 =	sld [smem:$0x3FFC];
	_ =	sdelay $0x3  }
0x95: {  	_ =	strace s4  }
0x96: {  	s4 =	sld [smem:$0x3FFD];
	_ =	sdelay $0x3  }
0x97: {  	_ =	strace s4  }
0x98: {  	_ =	strace $0x8FFFFFFF  }
0x99: {  	s19 =	sld [smem:$0x3FDB];
	_ =	sdelay $0x1  }
0x9a: {  	s5 =	simm.s32 $_scs_section_size  }
0x9b: {  	s6 =	simm.s32 $_size__tile_overlayer_lowered;
	s7 =	simm.s32 $_tile_overlayer_lowered  }
0x9c: {  	s22 =	simm.s32 $0x1BFF;
	s21 =	sshll.u32 s7, $0x1;
	s4 =	sadd.s32 s5, s19  }
0x9d: {  	s8 =	simm.s32 $0x0;
	s20 =	sshll.u32 s6, $0x1;
	s6 =	sadd.s32 s21, s4  }
0x9e: {  	[timem:s8], [sflag:s22] =	dma.local [hbm:s6], s20  }
0x9f: {  	_ =	swait.ge [sflag:s22], s20  }
0xa0: {  	s5 =	ssub.s32 $0x0, s20;
	[sflag:s22] =	ssyncset.done $0x0  }
0xa1: {  	[sflag:s22] =	ssyncadd.s32 s5;
	_ =	sdelay $0x1  }
0xa2: {  	s23 =	simm.s32 $0x1B8B  }
0xa3: {  	_ =	swait.ge [sflag:s23], $0x1  }
0xa4: {  	[sflag:s23] =	ssyncset.done $0x0  }
0xa5: {  	s25 =	simm.s32 $0x1B8E;
	s24 =	sld [smem:$0x3FFE];
	[sflag:s23] =	ssyncadd.s32 $0xFFFFFFFF  }
0xa6: {  	s26 =	simm.s32 $execute0_lowered;
	[smem:$0x3FD2] =	sst s25  }
0xa7: {  	s6 =	sshll.u32 s26, $0x1;
	_ =	strace $0x80000046;
	[dreg:$0x1] =	wrdreg $0xFFFFFFFF  }
0xa8: {  	s28 =	simm.s32 $_size_execute0_lowered;
	s4 =	sadd.s32 s4, s6;
	[dreg:$0x0] =	wrdreg $0x0  }
0xa9: {  	s6 =	sshll.u32 s28, $0x1;
	[dreg:$0x2] =	wrdreg s4  }
0xaa: {  	[dreg:$0x3] =	wrdreg s6  }
0xab: {  	[dreg:$0x4] =	wrdreg $0xC0  }
0xac: {  	_ =	task [dreg:s8], $0x5FFFF  }
0xad: {  	[dreg:$0x1] =	wrdreg $0xFFFFFFFF  }
0xae: {  	[dreg:$0x0] =	wrdreg $0x60  }
0xaf: {  	[dreg:$0x2] =	wrdreg s24  }
0xb0: {  	[dreg:$0x3] =	wrdreg s2  }
0xb1: {  	[dreg:$0x4] =	wrdreg s18  }
0xb2: {  	[dreg:$0x5] =	wrdreg $0x9  }
0xb3: {  	_ =	task.clear_ibuf [dreg:s8], $0x6FFFF;
	_ =	strace $0x90000046  }
0xb4: {  	s29 =	simm.s32 $0x9;
	_ =	strace $0x80000048  }
0xb5: {  	_ =	swait.ge [sflag:s29], $0x1  }
0xb6: {  	[sflag:s29] =	ssyncadd.s32 $0xFFFFFFFF  }
0xb7: {  	_ =	strace $0x90000048  }
0xb8: {  	_ =	sfence  }
0xb9: {  	s30 =	sld [smem:$0x0];
	_ =	sdelay $0x2  }
0xba: {  	s31 =	sshll.u32 s1, $0xD;
	s1 =	sshrl.u32 s1, $0x2  }
0xbb: {  	s3 =	sand.u32 $0x4000, s31;
	s1 =	sadd.s32 s1, s30  }
0xbc: {  	s0 =	sor.u32 s3, s0;
	s1 =	sshll.u32 s1, $0x11  }
0xbd: {  	s0 =	sor.u32 s1, s0  }
0xbe: {  	s0 =	sadd.s32 $0x8F2B, s0  }
0xbf: {  	[sflag:s0] =	ssyncadd.remote.s32 $0x1  }
0xc0: {  	_ =	sfence.sel $0xFFFF  }
0xc1: {  	[dreg:$0x0] =	wrdreg $0xFFFFFFFF;
	(pc) =	sbr.abs _section_cstart, $3  }
0xc2: {  	[dreg:$0x1] =	wrdreg $0xFFFFFFFF  }
0xc3: {  	_ =	task.clear_ibuf [dreg:s8], $0x2FFFF;
	_ =	strace $0x9FFFFFFF  }
0xc4: {  	(tm) =	ssettm $0x7FFFFFFF  }
0xc5: {  	_ =	shalt  }
tec
execute0_lowered:
.L_overlay_start_1:
0x0: {  	(tag) =	ssettag $0x1  }
0x1: {  	s0 =	srdreg.scid;
	s1 =	rddreg [dreg:$0x0]  }
0x2: {  	s9 =	stileid.u32;
	s2 =	rddreg [dreg:$0x1];
	s4 =	simm.s32 $0x0  }
0x3: {  	s0 =	sand.u32 $0x1, s0;
	s3 =	sshll.u32 s9, $0x1;
	s9 =	smul.u32 $0x64, s9  }
0x4: {  	s5 =	sor.u32 s0, s3;
	s8 =	ssub.s32 $0x2, s0;
	s0 =	smul.u32 $0x32, s0  }
0x5: {  	s28 =	simm.s32 $0x15C00;
	s29 =	simm.s32 $0x2;
	s6 =	smul.u32 $0x380, s5  }
0x6: {  	s31 =	simm.s32 $0x19C00;
	s30 =	simm.s32 $0xA;
	s7 =	smul.u32 $0xC8000, s5  }
0x7: {  	[smem:$0x7FF] =	sst s4;
	s10 =	sshrl.u32 s8, $0x1;
	s5 =	smul.u32 $0x19000, s5  }
0x8: {  	s3 =	rddreg [dreg:$0x2];
	_ =	strace $0x80000047;
	s15 =	ssub.s32 s8, s10  }
0x9: {  	s0 =	sadd.s32 s0, s9;
	s8 =	simm.s32 $0xC;
	s5 =	sadd.s32 s3, s5  }
0xa: {  	s1 =	sadd.s32 s6, s1;
	s26 =	smax.u32 s15, $0x1;
	[dreg:$0xa] =	wrdreg s5  }
0xb: {  	s9 =	simm.s32 $0xD;
	s1 =	sadd.s32 $0x400, s1;
	[dreg:$0x12] =	wrdreg s26  }
0xc: {  	s0 =	sshll.u32 s0, $0xB;
	s5 =	sadd.s32 $0x800, s5;
	[dreg:$0x9] =	wrdreg s1  }
0xd: {  	s10 =	simm.s32 $0xE;
	s18 =	sadd.s32 $0x3800, s0;
	[dreg:$0xb] =	wrdreg s5  }
0xe: {  	s16 =	sshrl.u32 s7, $0x3;
	s20 =	sadd.s32 $0x3000, s0;
	[dreg:$0x4] =	wrdreg s18  }
0xf: {  	s7 =	simm.s32 $0x7;
	s22 =	sadd.s32 $0x2000, s0;
	[dreg:$0x5] =	wrdreg s20  }
0x10: {  	s6 =	simm.s32 $0x0;
	s24 =	sadd.s32 $0x5000, s0;
	[dreg:$0x6] =	wrdreg s22  }
0x11: {  	s0 =	sadd.s32 $0x4000, s0;
	s1 =	sadd.s32 s3, s16;
	[dreg:$0x7] =	wrdreg s24  }
0x12: {  	s26 =	simm.s32 $0x5;
	[dreg:$0x8] =	wrdreg s0;
	s17 =	sadd.s32 $0x1000, s1  }
0x13: {  	s16 =	simm.s32 $0x80;
	s19 =	sadd.s32 $0x1800, s1;
	[dreg:$0xc] =	wrdreg s17  }
0x14: {  	s18 =	simm.s32 $0x5C00;
	s21 =	sadd.s32 $0x17000, s1;
	[dreg:$0xd] =	wrdreg s19  }
0x15: {  	s20 =	simm.s32 $0x9C00;
	s23 =	sadd.s32 $0x17800, s1;
	[dreg:$0xe] =	wrdreg s21  }
0x16: {  	s22 =	simm.s32 $0xDC00;
	s25 =	sadd.s32 $0x18000, s1;
	[dreg:$0xf] =	wrdreg s23  }
0x17: {  	s24 =	simm.s32 $0x11C00;
	s1 =	sadd.s32 $0x18800, s1;
	[dreg:$0x10] =	wrdreg s25  }
0x18: {  	s0 =	simm.s32 $0x8;
	s5 =	simm.s32 $0xB;
	[dreg:$0x11] =	wrdreg s1  }
0x19: {  	s17 =	simm.s32 $0x1C00;
	s25 =	simm.s32 $0x1;
	s1 =	simm.s32 $0x3  }
0x1a: {  	s21 =	simm.s32 $0x4;
	s23 =	simm.s32 $0x9;
	s19 =	simm.s32 $0x6  }
.LBB2_1:
0x1b: {  	s11 =	rddreg [dreg:$0x9];
	s14 =	simm.s32 $0xF  }
0x1c: {  	[tilespmem:s4], [sflag:$0xF] =	stream.linear.gather [hbm4b:s11+s4], $0x1900, $0x38;
	[tilespmem:$0x1DC00] =	vst v63  }
0x1d: {  	_ =	swait.ge [sflag:s14], $0x1900  }
0x1e: {  	[sflag:s14] =	ssyncset.done $0x0  }
0x1f: {  	[sflag:s14] =	ssyncadd.s32 $0xFFFFE700  }
0x20: {  	[tilespmem:s17], [sflag:$0x1] =	stream.indirect.gather [hbm4b:s2+s16], $0x80, s4, s16, $0xb8;
	[tilespmem:$0x1DC00] =	vst v63  }
0x21: {  	_ = 	snop  }
0x22: {  	[tilespmem:s18], [sflag:$0x2] =	stream.indirect.gather [hbm4b:s2+s16], $0x80, s16, s16, $0xb8;
	[tilespmem:$0x1DC00] =	vst v63  }
0x23: {  	s15 =	simm.s32 $0x100  }
0x24: {  	[tilespmem:s20], [sflag:$0x3] =	stream.indirect.gather [hbm4b:s2+s16], $0x80, s15, s16, $0xb8;
	[tilespmem:$0x1DC00] =	vst v63  }
0x25: {  	s12 =	simm.s32 $0x180  }
0x26: {  	[tilespmem:s22], [sflag:$0x4] =	stream.indirect.gather [hbm4b:s2+s16], $0x80, s12, s16, $0xb8;
	[tilespmem:$0x1DC00] =	vst v63  }
0x27: {  	s13 =	simm.s32 $0x200  }
0x28: {  	[tilespmem:s24], [sflag:$0x5] =	stream.indirect.gather [hbm4b:s2+s16], $0x80, s13, s16, $0xb8;
	[tilespmem:$0x1DC00] =	vst v63  }
0x29: {  	_ =	swait.ge [sflag:s25], $0x4000  }
0x2a: {  	[sflag:s25] =	ssyncset.done $0x0  }
0x2b: {  	s14 =	rddreg [dreg:$0xa];
	[sflag:s25] =	ssyncadd.s32 $0xFFFFC000  }
0x2c: {  	[hbm4b:s14+s4] =	stream.linear.scatter [tilespmem:s17], [sflag:$0x8], $0x4000, $0x38;
	[tilespmem:$0x1DC00] =	vst v63  }
0x2d: {  	s15 =	simm.s32 $0x280  }
0x2e: {  	[tilespmem:s28], [sflag:$0x6] =	stream.indirect.gather [hbm4b:s2+s16], $0x80, s15, s16, $0xb8;
	[tilespmem:$0x1DC00] =	vst v63  }
0x2f: {  	_ =	swait.ge [sflag:s29], $0x4000  }
0x30: {  	[sflag:s29] =	ssyncset.done $0x0  }
0x31: {  	s12 =	rddreg [dreg:$0xb];
	[sflag:s29] =	ssyncadd.s32 $0xFFFFC000  }
0x32: {  	[hbm4b:s12+s4] =	stream.linear.scatter [tilespmem:s18], [sflag:$0x9], $0x4000, $0x38;
	[tilespmem:$0x1DC00] =	vst v63  }
0x33: {  	s13 =	simm.s32 $0x300  }
0x34: {  	[tilespmem:s31], [sflag:$0x7] =	stream.indirect.gather [hbm4b:s2+s16], $0x80, s13, s16, $0xb8;
	[tilespmem:$0x1DC00] =	vst v63  }
0x35: {  	_ =	swait.ge [sflag:s1], $0x4000  }
0x36: {  	[sflag:s1] =	ssyncset.done $0x0  }
0x37: {  	s14 =	rddreg [dreg:$0xc];
	[sflag:s1] =	ssyncadd.s32 $0xFFFFC000  }
0x38: {  	[hbm4b:s14+s4] =	stream.linear.scatter [tilespmem:s20], [sflag:$0xA], $0x4000, $0x38;
	[tilespmem:$0x1DC00] =	vst v63  }
0x39: {  	_ =	swait.ge [sflag:s0], $0x4000  }
0x3a: {  	[sflag:s0] =	ssyncset.done $0x0  }
0x3b: {  	s15 =	simm.s32 $0x380;
	[sflag:s0] =	ssyncadd.s32 $0xFFFFC000  }
0x3c: {  	[tilespmem:s17], [sflag:$0x1] =	stream.indirect.gather [hbm4b:s2+s16], $0x80, s15, s16, $0xb8;
	[tilespmem:$0x1DC00] =	vst v63  }
0x3d: {  	_ =	swait.ge [sflag:s21], $0x4000  }
0x3e: {  	[sflag:s21] =	ssyncset.done $0x0  }
0x3f: {  	s12 =	rddreg [dreg:$0xd];
	[sflag:s21] =	ssyncadd.s32 $0xFFFFC000  }
0x40: {  	[hbm4b:s12+s4] =	stream.linear.scatter [tilespmem:s22], [sflag:$0xB], $0x4000, $0x38;
	[tilespmem:$0x1DC00] =	vst v63  }
0x41: {  	_ =	swait.ge [sflag:s23], $0x4000  }
0x42: {  	[sflag:s23] =	ssyncset.done $0x0  }
0x43: {  	s13 =	simm.s32 $0x400;
	[sflag:s23] =	ssyncadd.s32 $0xFFFFC000  }
0x44: {  	[tilespmem:s18], [sflag:$0x2] =	stream.indirect.gather [hbm4b:s2+s16], $0x80, s13, s16, $0xb8;
	[tilespmem:$0x1DC00] =	vst v63  }
0x45: {  	_ =	swait.ge [sflag:s26], $0x4000  }
0x46: {  	s14 =	rddreg [dreg:$0x6];
	[sflag:s26] =	ssyncset.done $0x0  }
0x47: {  	[sflag:s26] =	ssyncadd.s32 $0xFFFFC000;
	s11 =	sadd.s32 s3, s14  }
0x48: {  	[hbm4b:s11+s4] =	stream.linear.scatter [tilespmem:s24], [sflag:$0xC], $0x4000, $0x38;
	[tilespmem:$0x1DC00] =	vst v63  }
0x49: {  	_ =	swait.ge [sflag:s30], $0x4000  }
0x4a: {  	[sflag:s30] =	ssyncset.done $0x0  }
0x4b: {  	s12 =	simm.s32 $0x480;
	[sflag:s30] =	ssyncadd.s32 $0xFFFFC000  }
0x4c: {  	[tilespmem:s20], [sflag:$0x3] =	stream.indirect.gather [hbm4b:s2+s16], $0x80, s12, s16, $0xb8;
	[tilespmem:$0x1DC00] =	vst v63  }
0x4d: {  	_ =	swait.ge [sflag:s19], $0x4000  }
0x4e: {  	[sflag:s19] =	ssyncset.done $0x0  }
0x4f: {  	s11 =	sadd.s32 $0x800, s11;
	[sflag:s19] =	ssyncadd.s32 $0xFFFFC000  }
0x50: {  	[hbm4b:s11+s4] =	stream.linear.scatter [tilespmem:s28], [sflag:$0xD], $0x4000, $0x38;
	[tilespmem:$0x1DC00] =	vst v63  }
0x51: {  	_ =	swait.ge [sflag:s5], $0x4000  }
0x52: {  	[sflag:s5] =	ssyncset.done $0x0  }
0x53: {  	s15 =	simm.s32 $0x500;
	[sflag:s5] =	ssyncadd.s32 $0xFFFFC000  }
0x54: {  	[tilespmem:s22], [sflag:$0x4] =	stream.indirect.gather [hbm4b:s2+s16], $0x80, s15, s16, $0xb8;
	[tilespmem:$0x1DC00] =	vst v63  }
0x55: {  	_ =	swait.ge [sflag:s7], $0x4000  }
0x56: {  	s12 =	rddreg [dreg:$0x5];
	[sflag:s7] =	ssyncset.done $0x0  }
0x57: {  	[sflag:s7] =	ssyncadd.s32 $0xFFFFC000;
	s11 =	sadd.s32 s3, s12  }
0x58: {  	[hbm4b:s11+s4] =	stream.linear.scatter [tilespmem:s31], [sflag:$0xE], $0x4000, $0x38;
	[tilespmem:$0x1DC00] =	vst v63  }
0x59: {  	_ =	swait.ge [sflag:s8], $0x4000  }
0x5a: {  	[sflag:s8] =	ssyncset.done $0x0  }
0x5b: {  	s13 =	simm.s32 $0x580;
	[sflag:s8] =	ssyncadd.s32 $0xFFFFC000  }
0x5c: {  	[tilespmem:s24], [sflag:$0x5] =	stream.indirect.gather [hbm4b:s2+s16], $0x80, s13, s16, $0xb8;
	[tilespmem:$0x1DC00] =	vst v63  }
0x5d: {  	_ =	swait.ge [sflag:s25], $0x4000  }
0x5e: {  	s14 =	rddreg [dreg:$0x4];
	[sflag:s25] =	ssyncset.done $0x0  }
0x5f: {  	[sflag:s25] =	ssyncadd.s32 $0xFFFFC000;
	s11 =	sadd.s32 s3, s14  }
0x60: {  	[hbm4b:s11+s4] =	stream.linear.scatter [tilespmem:s17], [sflag:$0x8], $0x4000, $0x38;
	[tilespmem:$0x1DC00] =	vst v63  }
0x61: {  	_ =	swait.ge [sflag:s9], $0x4000  }
0x62: {  	[sflag:s9] =	ssyncset.done $0x0  }
0x63: {  	s15 =	simm.s32 $0x600;
	[sflag:s9] =	ssyncadd.s32 $0xFFFFC000  }
0x64: {  	[tilespmem:s28], [sflag:$0x6] =	stream.indirect.gather [hbm4b:s2+s16], $0x80, s15, s16, $0xb8;
	[tilespmem:$0x1DC00] =	vst v63  }
0x65: {  	_ =	swait.ge [sflag:s29], $0x4000  }
0x66: {  	s12 =	rddreg [dreg:$0x8];
	[sflag:s29] =	ssyncset.done $0x0  }
0x67: {  	[sflag:s29] =	ssyncadd.s32 $0xFFFFC000;
	s11 =	sadd.s32 s3, s12  }
0x68: {  	[hbm4b:s11+s4] =	stream.linear.scatter [tilespmem:s18], [sflag:$0x9], $0x4000, $0x38;
	[tilespmem:$0x1DC00] =	vst v63  }
0x69: {  	_ =	swait.ge [sflag:s10], $0x4000  }
0x6a: {  	[sflag:s10] =	ssyncset.done $0x0  }
0x6b: {  	s13 =	simm.s32 $0x680;
	[sflag:s10] =	ssyncadd.s32 $0xFFFFC000  }
0x6c: {  	[tilespmem:s31], [sflag:$0x7] =	stream.indirect.gather [hbm4b:s2+s16], $0x80, s13, s16, $0xb8;
	[tilespmem:$0x1DC00] =	vst v63  }
0x6d: {  	_ =	swait.ge [sflag:s1], $0x4000  }
0x6e: {  	[sflag:s1] =	ssyncset.done $0x0  }
0x6f: {  	s11 =	sadd.s32 $0x800, s11;
	[sflag:s1] =	ssyncadd.s32 $0xFFFFC000  }
0x70: {  	[hbm4b:s11+s4] =	stream.linear.scatter [tilespmem:s20], [sflag:$0xA], $0x4000, $0x38;
	[tilespmem:$0x1DC00] =	vst v63  }
0x71: {  	_ =	swait.ge [sflag:s0], $0x4000  }
0x72: {  	[sflag:s0] =	ssyncset.done $0x0  }
0x73: {  	s14 =	simm.s32 $0x700;
	[sflag:s0] =	ssyncadd.s32 $0xFFFFC000  }
0x74: {  	[tilespmem:s17], [sflag:$0x1] =	stream.indirect.gather [hbm4b:s2+s16], $0x80, s14, s16, $0xb8;
	[tilespmem:$0x1DC00] =	vst v63  }
0x75: {  	_ =	swait.ge [sflag:s21], $0x4000  }
0x76: {  	s12 =	sadd.s32 $0x3800, s3;
	s15 =	rddreg [dreg:$0x7];
	[sflag:s21] =	ssyncset.done $0x0  }
0x77: {  	s11 =	simm.s32 $0xE00;
	[sflag:s21] =	ssyncadd.s32 $0xFFFFC000;
	s13 =	sadd.s32 s3, s15  }
.LBB2_2:
0x78: {  	[hbm4b:s13+s4] =	stream.linear.scatter [tilespmem:s22], [sflag:$0xB], $0x4000, $0x38;
	[tilespmem:$0x1DC00] =	vst v63  }
0x79: {  	s14 =	smov.u32 s11;
	_ =	swait.ge [sflag:s23], $0x4000  }
0x7a: {  	s13 =	sshra.s32 s14, $0x2;
	[sflag:s23] =	ssyncset.done $0x0  }
0x7b: {  	s14 =	sadd.s32 $0x400, s13;
	[sflag:s23] =	ssyncadd.s32 $0xFFFFC000  }
0x7c: {  	[tilespmem:s18], [sflag:$0x2] =	stream.indirect.gather [hbm4b:s2+s16], $0x80, s14, s16, $0xb8;
	[tilespmem:$0x1DC00] =	vst v63  }
0x7d: {  	_ =	swait.ge [sflag:s26], $0x4000  }
0x7e: {  	s15 =	rddreg [dreg:$0x6];
	[sflag:s26] =	ssyncset.done $0x0  }
0x7f: {  	[sflag:s26] =	ssyncadd.s32 $0xFFFFC000;
	s14 =	sadd.s32 s12, s15  }
0x80: {  	[hbm4b:s14+s4] =	stream.linear.scatter [tilespmem:s24], [sflag:$0xC], $0x4000, $0x38;
	[tilespmem:$0x1DC00] =	vst v63  }
0x81: {  	_ =	swait.ge [sflag:s30], $0x4000  }
0x82: {  	[sflag:s30] =	ssyncset.done $0x0  }
0x83: {  	s15 =	sadd.s32 $0x480, s13;
	[sflag:s30] =	ssyncadd.s32 $0xFFFFC000  }
0x84: {  	[tilespmem:s20], [sflag:$0x3] =	stream.indirect.gather [hbm4b:s2+s16], $0x80, s15, s16, $0xb8;
	[tilespmem:$0x1DC00] =	vst v63  }
0x85: {  	_ =	swait.ge [sflag:s19], $0x4000  }
0x86: {  	[sflag:s19] =	ssyncset.done $0x0  }
0x87: {  	s14 =	sadd.s32 $0x800, s14;
	[sflag:s19] =	ssyncadd.s32 $0xFFFFC000  }
0x88: {  	[hbm4b:s14+s4] =	stream.linear.scatter [tilespmem:s28], [sflag:$0xD], $0x4000, $0x38;
	[tilespmem:$0x1DC00] =	vst v63  }
0x89: {  	_ =	swait.ge [sflag:s5], $0x4000  }
0x8a: {  	[sflag:s5] =	ssyncset.done $0x0  }
0x8b: {  	s15 =	sadd.s32 $0x500, s13;
	[sflag:s5] =	ssyncadd.s32 $0xFFFFC000  }
0x8c: {  	[tilespmem:s22], [sflag:$0x4] =	stream.indirect.gather [hbm4b:s2+s16], $0x80, s15, s16, $0xb8;
	[tilespmem:$0x1DC00] =	vst v63  }
0x8d: {  	_ =	swait.ge [sflag:s7], $0x4000  }
0x8e: {  	s15 =	rddreg [dreg:$0x5];
	[sflag:s7] =	ssyncset.done $0x0  }
0x8f: {  	[sflag:s7] =	ssyncadd.s32 $0xFFFFC000;
	s14 =	sadd.s32 s12, s15  }
0x90: {  	[hbm4b:s14+s4] =	stream.linear.scatter [tilespmem:s31], [sflag:$0xE], $0x4000, $0x38;
	[tilespmem:$0x1DC00] =	vst v63  }
0x91: {  	_ =	swait.ge [sflag:s8], $0x4000  }
0x92: {  	[sflag:s8] =	ssyncset.done $0x0  }
0x93: {  	s15 =	sadd.s32 $0x580, s13;
	[sflag:s8] =	ssyncadd.s32 $0xFFFFC000  }
0x94: {  	[tilespmem:s24], [sflag:$0x5] =	stream.indirect.gather [hbm4b:s2+s16], $0x80, s15, s16, $0xb8;
	[tilespmem:$0x1DC00] =	vst v63  }
0x95: {  	_ =	swait.ge [sflag:s25], $0x4000  }
0x96: {  	s15 =	rddreg [dreg:$0x4];
	[sflag:s25] =	ssyncset.done $0x0  }
0x97: {  	[sflag:s25] =	ssyncadd.s32 $0xFFFFC000;
	s14 =	sadd.s32 s12, s15  }
0x98: {  	[hbm4b:s14+s4] =	stream.linear.scatter [tilespmem:s17], [sflag:$0x8], $0x4000, $0x38;
	[tilespmem:$0x1DC00] =	vst v63  }
0x99: {  	_ =	swait.ge [sflag:s9], $0x4000  }
0x9a: {  	[sflag:s9] =	ssyncset.done $0x0  }
0x9b: {  	s15 =	sadd.s32 $0x600, s13;
	[sflag:s9] =	ssyncadd.s32 $0xFFFFC000  }
0x9c: {  	[tilespmem:s28], [sflag:$0x6] =	stream.indirect.gather [hbm4b:s2+s16], $0x80, s15, s16, $0xb8;
	[tilespmem:$0x1DC00] =	vst v63  }
0x9d: {  	_ =	swait.ge [sflag:s29], $0x4000  }
0x9e: {  	s15 =	rddreg [dreg:$0x8];
	[sflag:s29] =	ssyncset.done $0x0  }
0x9f: {  	[sflag:s29] =	ssyncadd.s32 $0xFFFFC000;
	s14 =	sadd.s32 s12, s15  }
0xa0: {  	[hbm4b:s14+s4] =	stream.linear.scatter [tilespmem:s18], [sflag:$0x9], $0x4000, $0x38;
	[tilespmem:$0x1DC00] =	vst v63  }
0xa1: {  	_ =	swait.ge [sflag:s10], $0x4000  }
0xa2: {  	[sflag:s10] =	ssyncset.done $0x0  }
0xa3: {  	s15 =	sadd.s32 $0x680, s13;
	[sflag:s10] =	ssyncadd.s32 $0xFFFFC000  }
0xa4: {  	[tilespmem:s31], [sflag:$0x7] =	stream.indirect.gather [hbm4b:s2+s16], $0x80, s15, s16, $0xb8;
	[tilespmem:$0x1DC00] =	vst v63  }
0xa5: {  	_ =	swait.ge [sflag:s1], $0x4000  }
0xa6: {  	[sflag:s1] =	ssyncset.done $0x0  }
0xa7: {  	s14 =	sadd.s32 $0x800, s14;
	[sflag:s1] =	ssyncadd.s32 $0xFFFFC000  }
0xa8: {  	[hbm4b:s14+s4] =	stream.linear.scatter [tilespmem:s20], [sflag:$0xA], $0x4000, $0x38;
	[tilespmem:$0x1DC00] =	vst v63  }
0xa9: {  	_ =	swait.ge [sflag:s0], $0x4000  }
0xaa: {  	p0 =	sne.s32 s11, $0x4600;
	[sflag:s0] =	ssyncset.done $0x0  }
.Ltmp0:
0xab: {  	s13 =	sadd.s32 $0x700, s13;
	[sflag:s0] =	ssyncadd.s32 $0xFFFFC000;
	(pc) =	sbr.rel @p0 .LBB2_2-.Ltmp0, $4  }
0xac: {  	[tilespmem:s17], [sflag:$0x1] =	stream.indirect.gather [hbm4b:s2+s16], $0x80, s13, s16, $0xb8;
	[tilespmem:$0x1DC00] =	vst v63  }
0xad: {  	_ =	swait.ge [sflag:s21], $0x4000  }
0xae: {  	s11 =	sadd.s32 $0xE00, s11;
	[sflag:s21] =	ssyncset.done $0x0;
	s15 =	rddreg [dreg:$0x7]  }
0xaf: {  	[sflag:s21] =	ssyncadd.s32 $0xFFFFC000;
	s13 =	sadd.s32 s12, s15;
	s12 =	sadd.s32 $0x3800, s12  }
0xb0: {  	[hbm4b:s13+s4] =	stream.linear.scatter [tilespmem:s22], [sflag:$0xB], $0x4000, $0x38;
	[tilespmem:$0x1DC00] =	vst v63  }
0xb1: {  	_ =	swait.ge [sflag:s26], $0x4000  }
0xb2: {  	[sflag:s26] =	ssyncset.done $0x0  }
0xb3: {  	s11 =	rddreg [dreg:$0xe];
	[sflag:s26] =	ssyncadd.s32 $0xFFFFC000  }
0xb4: {  	[hbm4b:s11+s4] =	stream.linear.scatter [tilespmem:s24], [sflag:$0xC], $0x4000, $0x38;
	[tilespmem:$0x1DC00] =	vst v63  }
0xb5: {  	_ =	swait.ge [sflag:s19], $0x4000  }
0xb6: {  	[sflag:s19] =	ssyncset.done $0x0  }
0xb7: {  	s12 =	rddreg [dreg:$0xf];
	[sflag:s19] =	ssyncadd.s32 $0xFFFFC000  }
0xb8: {  	[hbm4b:s12+s4] =	stream.linear.scatter [tilespmem:s28], [sflag:$0xD], $0x4000, $0x38;
	[tilespmem:$0x1DC00] =	vst v63  }
0xb9: {  	_ =	swait.ge [sflag:s7], $0x4000  }
0xba: {  	[sflag:s7] =	ssyncset.done $0x0  }
0xbb: {  	s13 =	rddreg [dreg:$0x10];
	[sflag:s7] =	ssyncadd.s32 $0xFFFFC000  }
0xbc: {  	[hbm4b:s13+s4] =	stream.linear.scatter [tilespmem:s31], [sflag:$0xE], $0x4000, $0x38;
	[tilespmem:$0x1DC00] =	vst v63  }
0xbd: {  	_ =	swait.ge [sflag:s25], $0x4000  }
0xbe: {  	[sflag:s25] =	ssyncset.done $0x0  }
0xbf: {  	s14 =	rddreg [dreg:$0x11];
	[sflag:s25] =	ssyncadd.s32 $0xFFFFC000  }
0xc0: {  	[hbm4b:s14+s4] =	stream.linear.scatter [tilespmem:s17], [sflag:$0x8], $0x4000, $0x38;
	[tilespmem:$0x1DC00] =	vst v63  }
0xc1: {  	_ =	swait.ge [sflag:s23], $0x4000  }
0xc2: {  	[sflag:s23] =	ssyncset.done $0x0  }
0xc3: {  	[sflag:s23] =	ssyncadd.s32 $0xFFFFC000  }
0xc4: {  	_ =	swait.ge [sflag:s30], $0x4000  }
0xc5: {  	[sflag:s30] =	ssyncset.done $0x0  }
0xc6: {  	[sflag:s30] =	ssyncadd.s32 $0xFFFFC000  }
0xc7: {  	_ =	swait.ge [sflag:s5], $0x4000  }
0xc8: {  	[sflag:s5] =	ssyncset.done $0x0  }
0xc9: {  	[sflag:s5] =	ssyncadd.s32 $0xFFFFC000  }
0xca: {  	_ =	swait.ge [sflag:s8], $0x4000  }
0xcb: {  	[sflag:s8] =	ssyncset.done $0x0  }
0xcc: {  	[sflag:s8] =	ssyncadd.s32 $0xFFFFC000  }
0xcd: {  	_ =	swait.ge [sflag:s9], $0x4000  }
0xce: {  	[sflag:s9] =	ssyncset.done $0x0  }
0xcf: {  	[sflag:s9] =	ssyncadd.s32 $0xFFFFC000  }
0xd0: {  	_ =	swait.ge [sflag:s10], $0x4000  }
0xd1: {  	[sflag:s10] =	ssyncset.done $0x0  }
0xd2: {  	[sflag:s10] =	ssyncadd.s32 $0xFFFFC000  }
0xd3: {  	_ =	swait.ge [sflag:s0], $0x4000  }
0xd4: {  	s6 =	sadd.s32 $0x1, s6;
	s15 =	rddreg [dreg:$0x12]  }
0xd5: {  	p0 =	sne.s32 s6, s15  }
.Ltmp1:
0xd6: {  	_ = 	snop;
	(pc) =	sbr.rel @p0 .LBB2_1-.Ltmp1, $3  }
0xd7: {  	_ =	sdelay $0x1  }
0xd8: {  	[sflag:s0] =	ssyncset.done $0x0  }
0xd9: {  	[sflag:s0] =	ssyncadd.s32 $0xFFFFC000  }
0xda: {  	_ =	sfence.sel $0x180000  }
0xdb: {  	[bflag:$0x0] =	sbarrier.arrive $0xFFFF  }
0xdc: {  	_ =	strace $0x90000047  }
0xdd: {  	s0 =	stileid.u32;
	[bflag:$0x2] =	sbarrier.arrive $0xFFFF  }
0xde: {  	p0 =	sne.s32 s0, $0x0;
	s0 =	rddreg [dreg:$0x3]  }
0xdf: {  	s0 =	sadd.s32 @!p0 $0x100000, s0  }
0xe0: {  	[sflag:s0] =	ssyncadd.tile.s32 @!p0 $0x1;
	_ =	shalt  }
.Lfunc_end2:
_tile_overlayer_lowered:
.L_overlay_start_2:
0xe1: {  	(tag) =	ssettag $0x2  }
0xe2: {  	s0 =	rddreg [dreg:$0x0];
	s2 =	stileid.u32  }
0xe3: {  	s1 =	rddreg [dreg:$0x1];
	p0 =	sne.s32 s2, $0x0  }
0xe4: {  	s3 =	rddreg [dreg:$0x2];
	[bflag:$0x3] =	sbarrier.arrive $0xFFFF;
	s2 =	simm.s32 @!p0 $0x1C0F  }
0xe5: {  	[timem:s3], [sflag:s2] =	dma.local @!p0 [hbm:s0], s1  }
0xe6: {  	s0 =	simm.s32 @!p0 $0xF  }
0xe7: {  	_ =	swait.ge @!p0 [sflag:s0], s1  }
0xe8: {  	s1 =	ssub.s32 @!p0 $0x0, s1;
	[sflag:s0] =	ssyncset.done @!p0 $0x0  }
0xe9: {  	[sflag:s0] =	ssyncadd.s32 @!p0 s1  }
0xea: {  	[bflag:$0x3] =	sbarrier.arrive $0xFFFF  }
0xeb: {  	_ =	shalt  }

</sc_bundles>
